<compile_context>
chip_gen: v7x
topology: tpu7x:2x2x1
jax: 0.10.2.dev20260603
libtpu: 0.0.44.dev20260713+nightly
codegen_flags: <defaults>
</compile_context>

<pallas_src>
import jax
import jax.numpy as jnp
from jax import lax
from jax.experimental import pallas as pl
from jax.experimental.pallas import tpu as pltpu
from jax.experimental.pallas import tpu_sc as plsc

_B, _G, _E = 4, 64, 8
_DS, _DE, _H, _A = 1024, 64, 1024, 16
_DIN = _DS + _DE
_N = _B * _G
_T = 64
_NCHUNK = _N // _T


def _moe_kernel(eidx_ref, state_ref, emb_ref, bcat_ref,
                w3_ref, w1_any, w2_any, out_ref,
                permbuf, counts_vm, counts_sm, csem):
    bf = jnp.bfloat16
    f32 = jnp.float32

    out_ref[...] = jnp.zeros_like(out_ref)
    beste = eidx_ref[...]
    oh = (beste == lax.broadcasted_iota(jnp.int32, (_N, _E), 1)
          ).astype(bf)
    ones_row = jnp.ones((1, _N), bf)
    counts_row = jnp.dot(ones_row, oh, preferred_element_type=f32)
    counts_vm[...] = counts_row.astype(jnp.int32)
    ti = lax.broadcasted_iota(jnp.int32, (_N, _N), 0)
    tj = lax.broadcasted_iota(jnp.int32, (_N, _N), 1)
    tril = (tj <= ti).astype(bf)
    csum = jnp.dot(tril, oh, preferred_element_type=f32)
    slot = (jnp.sum(csum * oh.astype(f32), axis=1, keepdims=True)
            - 1.0)
    ssel = (slot == lax.broadcasted_iota(
        jnp.int32, (_N, _N), 1).astype(f32)).astype(bf)
    tvals = (lax.broadcasted_iota(jnp.int32, (_N, _E), 0).astype(bf)
             * oh)
    permf = lax.dot_general(ssel, tvals, (((0,), (0,)), ((), ())),
                            preferred_element_type=f32)
    permbuf[...] = permf.astype(jnp.int32)
    pltpu.make_async_copy(counts_vm, counts_sm, csem).start()
    pltpu.make_async_copy(counts_vm, counts_sm, csem).wait()

    state_bf = state_ref[...].astype(bf)
    emb_bf = emb_ref[...].astype(bf)

    def expert_body(idxs, w1_ref, w2_ref):
        e = idxs[0]
        count = counts_sm[0, e]
        w1 = w1_ref[0]
        sp = jnp.dot(state_bf, w1[_DE:, :].astype(bf),
                     preferred_element_type=f32)
        ep = jnp.dot(emb_bf, w1[:_DE, :].astype(bf),
                     preferred_element_type=f32)
        w2b = w2_ref[0].astype(bf)
        w3b = w3_ref[pl.ds(e, 1)][0].astype(bf)
        brow = bcat_ref[pl.ds(e, 1), :]
        b1v = brow[:, :_H]
        b2v = brow[:, _H:2 * _H]
        b3v = brow[:, 2 * _H:]

        def chunk(j):
            tid8 = permbuf[pl.ds(j * _T, _T), :]
            lane = lax.broadcasted_iota(jnp.int32, (_T, _E), 1)
            tid = jnp.sum(jnp.where(lane == e, tid8, 0), axis=1,
                          keepdims=True)
            riota = lax.broadcasted_iota(jnp.int32, (_T, 1), 0)
            valid = (j * _T + riota) < count
            bidx = tid // _G
            gidx = tid - bidx * _G
            oh_b = (bidx == lax.broadcasted_iota(jnp.int32, (_T, _B), 1)
                    ).astype(bf)
            oh_g = (gidx == lax.broadcasted_iota(jnp.int32, (_T, _G), 1)
                    ).astype(bf)
            h1c = jnp.maximum(
                jnp.dot(oh_b, sp.astype(bf), preferred_element_type=f32)
                + jnp.dot(oh_g, ep.astype(bf), preferred_element_type=f32)
                + b1v, 0.0)
            h2c = jnp.maximum(
                jnp.dot(h1c.astype(bf), w2b, preferred_element_type=f32)
                + b2v, 0.0)
            oc = (jnp.dot(h2c.astype(bf), w3b, preferred_element_type=f32)
                  + b3v)
            oh_t = ((tid == lax.broadcasted_iota(jnp.int32, (_T, _N), 1))
                    & valid).astype(bf)
            out_ref[...] += lax.dot_general(
                oh_t, oc.astype(bf), (((0,), (0,)), ((), ())),
                preferred_element_type=f32)

        chunk(0)
        for j in range(1, _NCHUNK):
            @pl.when(j * _T < count)
            def _(j=j):
                chunk(j)

    pipeline = pltpu.emit_pipeline(
        expert_body,
        grid=(_E,),
        in_specs=[
            pl.BlockSpec((1, _DIN, _H), lambda e: (e, 0, 0)),
            pl.BlockSpec((1, _H, _H), lambda e: (e, 0, 0)),
        ],
        _explicit_indices=True,
    )
    pipeline(w1_any, w2_any)


def _run_moe(eidx, state, agent_emb, W1, b1, W2, b2, W3, b3):
    return pl.pallas_call(
        _moe_kernel,
        in_specs=[
            pl.BlockSpec(memory_space=pltpu.VMEM),
            pl.BlockSpec(memory_space=pltpu.VMEM),
            pl.BlockSpec(memory_space=pltpu.VMEM),
            pl.BlockSpec(memory_space=pltpu.VMEM),
            pl.BlockSpec(memory_space=pltpu.VMEM),
            pl.BlockSpec(memory_space=pl.ANY),
            pl.BlockSpec(memory_space=pl.ANY),
        ],
        out_specs=pl.BlockSpec(memory_space=pltpu.VMEM),
        out_shape=jax.ShapeDtypeStruct((_N, _A), jnp.float32),
        scratch_shapes=[
            pltpu.VMEM((_N, _E), jnp.int32),
            pltpu.VMEM((1, _E), jnp.int32),
            pltpu.SMEM((1, _E), jnp.int32),
            pltpu.SemaphoreType.DMA,
        ],
        compiler_params=pltpu.CompilerParams(),
    )(eidx, state, agent_emb,
      jnp.concatenate([b1, b2, b3], axis=1), W3, W1, W2)


_NW = 16


def _sc_route_kernel(logits_hbm, gum_hbm, out_hbm, lv, gv, ev):
    cid = lax.axis_index("c")
    sid = lax.axis_index("s")

    @pl.when(cid == 0)
    def _():
        t0 = sid * 16
        g0 = t0 % _G
        pltpu.sync_copy(logits_hbm, lv)
        pltpu.sync_copy(gum_hbm, gv)
        best = lv[pl.ds(g0, 16)] + gv[pl.ds(t0, 16)]
        beste = jnp.zeros((16,), jnp.int32)
        for e in range(1, _E):
            sc = (lv[pl.ds(e * _G + g0, 16)]
                  + gv[pl.ds(e * _N + t0, 16)])
            m = sc > best
            beste = jnp.where(m, e, beste)
            best = jnp.maximum(best, sc)
        ev[...] = beste
        pltpu.sync_copy(ev, out_hbm.at[pl.ds(t0, 16)])


def _sc_route(logits_flat, gum_flat):
    import functools
    mesh = plsc.VectorSubcoreMesh(core_axis_name="c", subcore_axis_name="s")

    @functools.partial(
        pl.kernel, mesh=mesh,
        out_type=jax.ShapeDtypeStruct((_N,), jnp.int32),
        scratch_types=[
            pltpu.VMEM((_E * _G,), jnp.float32),
            pltpu.VMEM((_E * _N,), jnp.float32),
            pltpu.VMEM((16,), jnp.int32),
        ],
    )
    def k(logits_hbm, gum_hbm, out_hbm, lv, gv, ev):
        _sc_route_kernel(logits_hbm, gum_hbm, out_hbm, lv, gv, ev)

    return k(logits_flat, gum_flat)


def kernel(state, assigner_logits, agent_emb, W1, b1, W2, b2, W3, b3):
    u = jax.random.uniform(jax.random.key(1), (_B, _G, _E), jnp.float32,
                           1e-6, 1.0 - 1e-6)
    gum = (-jnp.log(-jnp.log(u))).reshape(_N, _E).T.reshape(_E * _N)
    eidx = _sc_route(assigner_logits.T.reshape(_E * _G), gum)
    out = _run_moe(eidx.reshape(_N, 1), state, agent_emb, W1, b1, W2, b2,
                   W3, b3)
    return out.reshape(_B, _G, _A)

# --- scband reference (transcript-rebuilt; emitter-appended) ---
"""Pipeline reference for scband-stompnet2-16355235463735 (READ-ONLY COPY).

The authoritative reference and input builder live on the scoring server;
editing this copy changes nothing except your own understanding.
"""

import jax, jax.numpy as jnp
import numpy as np

B, G, E = 4, 64, 8
DS, DE, H, A = 1024, 64, 1024, 16
DIN = DS + DE

def setup_inputs(seed: int = 0) -> dict:
    key = jax.random.key(seed)
    ks = jax.random.split(key, 9)
    inp = {
        "state": jax.random.normal(ks[0], (B, DS), jnp.float32),
        "assigner_logits": jax.random.normal(ks[1], (G, E), jnp.float32),
        "agent_emb": jax.random.normal(ks[2], (G, DE), jnp.float32),
        "W1": jax.random.normal(ks[3], (E, DIN, H), jnp.float32) * (1.0 / np.sqrt(DIN)),
        "b1": jnp.zeros((E, H), jnp.float32),
        "W2": jax.random.normal(ks[4], (E, H, H), jnp.float32) * (1.0 / np.sqrt(H)),
        "b2": jnp.zeros((E, H), jnp.float32),
        "W3": jax.random.normal(ks[5], (E, H, A), jnp.float32) * (1.0 / np.sqrt(H)),
        "b3": jnp.zeros((E, A), jnp.float32),
    }
    return inp

def reference(state, assigner_logits, agent_emb, W1, b1, W2, b2, W3, b3):
    # Assigner: gumbel-softmax (hard, straight-through) over abstract agents,
    # logits repeated across batch exactly as weight.repeat(batch,1,1).
    gkey = jax.random.key(1)
    u = jax.random.uniform(gkey, (B, G, E), jnp.float32, 1e-6, 1.0 - 1e-6)
    gumbel = -jnp.log(-jnp.log(u))
    logits = jnp.broadcast_to(assigner_logits[None, :, :], (B, G, E))
    y = jax.nn.softmax(logits + gumbel, axis=-1)
    hard = jax.nn.one_hot(jnp.argmax(y, axis=-1), E, dtype=y.dtype)
    assign = hard + y - jax.lax.stop_gradient(y)  # one-hot forward, soft backward

    # concat([embedding_vector, state]) per (batch, ground agent)
    emb_b = jnp.broadcast_to(agent_emb[None, :, :], (B, G, DE))
    state_b = jnp.broadcast_to(state[:, None, :], (B, G, DS))
    x = jnp.concatenate([emb_b, state_b], axis=-1)  # [B, G, DIN]

    # Run every abstract agent's Decoder MLP (2 hidden layers + output) on all tokens,
    # then select via the one-hot assignment (mathematically identical to the per-item loop).
    h1 = jax.nn.relu(jnp.einsum('bgi,eih->bgeh', x, W1) + b1[None, None, :, :])
    h2 = jax.nn.relu(jnp.einsum('bgeh,ehk->bgek', h1, W2) + b2[None, None, :, :])
    out_e = jnp.einsum('bgek,eka->bgea', h2, W3) + b3[None, None, :, :]  # [B, G, E, A]
    out = jnp.einsum('bge,bgea->bga', assign, out_e)  # [B, G, A]
    return out

if __name__ == "__main__":
    import jax
    _d = setup_inputs()
    print(jax.jit(kernel)(*tuple(_d.values())))

</pallas_src>

<mosaic_0001>
#map = affine_map<(d0, d1) -> (0)>
module attributes {stable_mosaic.version = 14 : i64} {
  func.func @k(%arg0: i32, %arg1: i32, %arg2: memref<512xf32, #tpu.memory_space<hbm>>, %arg3: memref<2048xf32, #tpu.memory_space<hbm>>, %arg4: memref<256xi32, #tpu.memory_space<hbm>>, %arg5: memref<512xf32, #tpu.memory_space<vmem>>, %arg6: memref<2048xf32, #tpu.memory_space<vmem>>, %arg7: memref<16xi32, #tpu.memory_space<vmem>>) attributes {dimension_semantics = [#tpu.dimension_semantics<core_parallel>, #tpu.dimension_semantics<subcore_parallel>], iteration_bounds = array<i64: 2, 16>, scalar_prefetch = 0 : i64, scratch_operands = 3 : i64, tpu.core_type = #tpu.core_type<sc_vector_subcore>, window_params = [{transform_indices = #map}, {transform_indices = #map}, {transform_indices = #map}]} {
    %eq3A = arith.constant 0 : i32
    %eq3A_0 = arith.cmpi eq, %arg0, %eq3A : i32
    %convert_element_type3A = arith.extui %eq3A_0 : i1 to i32
    %cond3A = arith.constant 0 : i32
    %cond3A_1 = arith.cmpi ne, %convert_element_type3A, %cond3A : i32
    scf.if %cond3A_1 {
      %mul3A = arith.constant 16 : i32
      %mul3A_2 = arith.muli %arg1, %mul3A : i32
      %jit3A = arith.constant 64 : i32
      %eq3A_3 = arith.constant 0 : i32
      %eq3A_4 = arith.cmpi eq, %jit3A, %eq3A_3 : i32
      %jit3A_5 = arith.constant 1 : i32
      %select_n3A = arith.select %eq3A_4, %jit3A_5, %jit3A : i32
      %rem3A = arith.remsi %mul3A_2, %select_n3A : i32
      %ne3A = arith.constant 0 : i32
      %ne3A_6 = arith.cmpi ne, %rem3A, %ne3A : i32
      %lt3A = arith.constant 0 : i32
      %lt3A_7 = arith.cmpi slt, %rem3A, %lt3A : i32
      %lt3A_8 = arith.constant 0 : i32
      %lt3A_9 = arith.cmpi slt, %select_n3A, %lt3A_8 : i32
      %ne3A_10 = arith.xori %lt3A_7, %lt3A_9 : i1
      %and3A = arith.andi %ne3A_10, %ne3A_6 : i1
      %add3A = arith.addi %rem3A, %select_n3A : i32
      %select_n3A_11 = arith.select %and3A, %add3A, %rem3A : i32
      "tpu.region"() ({
        %run_scoped3A = tpu.sem_alloc : memref<!tpu.dma_semaphore, #tpu.memory_space<semaphore_mem>>
        tpu.enqueue_dma source(%arg2 : memref<512xf32, #tpu.memory_space<hbm>>) target(%arg5 : memref<512xf32, #tpu.memory_space<vmem>>) target_semaphore(%run_scoped3A : memref<!tpu.dma_semaphore, #tpu.memory_space<semaphore_mem>>)
        tpu.wait_dma2 semaphore(%run_scoped3A : memref<!tpu.dma_semaphore, #tpu.memory_space<semaphore_mem>>) src(%arg2 : memref<512xf32, #tpu.memory_space<hbm>>) dst(%arg5 : memref<512xf32, #tpu.memory_space<vmem>>)
        tpu.yield
      }) : () -> ()
      "tpu.region"() ({
        %run_scoped3A = tpu.sem_alloc : memref<!tpu.dma_semaphore, #tpu.memory_space<semaphore_mem>>
        tpu.enqueue_dma source(%arg3 : memref<2048xf32, #tpu.memory_space<hbm>>) target(%arg6 : memref<2048xf32, #tpu.memory_space<vmem>>) target_semaphore(%run_scoped3A : memref<!tpu.dma_semaphore, #tpu.memory_space<semaphore_mem>>)
        tpu.wait_dma2 semaphore(%run_scoped3A : memref<!tpu.dma_semaphore, #tpu.memory_space<semaphore_mem>>) src(%arg3 : memref<2048xf32, #tpu.memory_space<hbm>>) dst(%arg6 : memref<2048xf32, #tpu.memory_space<vmem>>)
        tpu.yield
      }) : () -> ()
      %get3A = arith.index_cast %select_n3A_11 : i32 to index
      %get3A_12 = tpu.vector_load %arg5[%get3A] {strides = array<i32>} : memref<512xf32, #tpu.memory_space<vmem>>, vector<16xf32>,
      %get3A_13 = vector.shape_cast %get3A_12 : vector<16xf32> to vector<16xf32>
      %get3A_14 = arith.index_cast %mul3A_2 : i32 to index
      %get3A_15 = tpu.vector_load %arg6[%get3A_14] {strides = array<i32>} : memref<2048xf32, #tpu.memory_space<vmem>>, vector<16xf32>,
      %get3A_16 = vector.shape_cast %get3A_15 : vector<16xf32> to vector<16xf32>
      %add3A_17 = arith.addf %get3A_13, %get3A_16 : vector<16xf32>
      %broadcast_in_dim3A = arith.constant 0 : i32
      %broadcast_in_dim3A_18 = vector.broadcast %broadcast_in_dim3A : i32 to vector<16xi32>
      %add3A_19 = arith.constant 64 : i32
      %add3A_20 = arith.addi %add3A_19, %select_n3A_11 : i32
      %get3A_21 = arith.index_cast %add3A_20 : i32 to index
      %get3A_22 = tpu.vector_load %arg5[%get3A_21] {strides = array<i32>} : memref<512xf32, #tpu.memory_space<vmem>>, vector<16xf32>,
      %get3A_23 = vector.shape_cast %get3A_22 : vector<16xf32> to vector<16xf32>
      %add3A_24 = arith.constant 256 : i32
      %add3A_25 = arith.addi %add3A_24, %mul3A_2 : i32
      %get3A_26 = arith.index_cast %add3A_25 : i32 to index
      %get3A_27 = tpu.vector_load %arg6[%get3A_26] {strides = array<i32>} : memref<2048xf32, #tpu.memory_space<vmem>>, vector<16xf32>,
      %get3A_28 = vector.shape_cast %get3A_27 : vector<16xf32> to vector<16xf32>
      %add3A_29 = arith.addf %get3A_23, %get3A_28 : vector<16xf32>
      %gt3A = arith.cmpf ogt, %add3A_29, %add3A_17 : vector<16xf32>
      %jit3A_30 = arith.constant 1 : i32
      %broadcast_in_dim3A_31 = vector.broadcast %jit3A_30 : i32 to vector<16xi32>
      %select_n3A_32 = arith.select %gt3A, %broadcast_in_dim3A_31, %broadcast_in_dim3A_18 : vector<16xi1>, vector<16xi32>
      %max3A = arith.maximumf %add3A_17, %add3A_29 : vector<16xf32>
      %add3A_33 = arith.constant 128 : i32
      %add3A_34 = arith.addi %add3A_33, %select_n3A_11 : i32
      %get3A_35 = arith.index_cast %add3A_34 : i32 to index
      %get3A_36 = tpu.vector_load %arg5[%get3A_35] {strides = array<i32>} : memref<512xf32, #tpu.memory_space<vmem>>, vector<16xf32>,
      %get3A_37 = vector.shape_cast %get3A_36 : vector<16xf32> to vector<16xf32>
      %add3A_38 = arith.constant 512 : i32
      %add3A_39 = arith.addi %add3A_38, %mul3A_2 : i32
      %get3A_40 = arith.index_cast %add3A_39 : i32 to index
      %get3A_41 = tpu.vector_load %arg6[%get3A_40] {strides = array<i32>} : memref<2048xf32, #tpu.memory_space<vmem>>, vector<16xf32>,
      %get3A_42 = vector.shape_cast %get3A_41 : vector<16xf32> to vector<16xf32>
      %add3A_43 = arith.addf %get3A_37, %get3A_42 : vector<16xf32>
      %gt3A_44 = arith.cmpf ogt, %add3A_43, %max3A : vector<16xf32>
      %jit3A_45 = arith.constant 2 : i32
      %broadcast_in_dim3A_46 = vector.broadcast %jit3A_45 : i32 to vector<16xi32>
      %select_n3A_47 = arith.select %gt3A_44, %broadcast_in_dim3A_46, %select_n3A_32 : vector<16xi1>, vector<16xi32>
      %max3A_48 = arith.maximumf %max3A, %add3A_43 : vector<16xf32>
      %add3A_49 = arith.constant 192 : i32
      %add3A_50 = arith.addi %add3A_49, %select_n3A_11 : i32
      %get3A_51 = arith.index_cast %add3A_50 : i32 to index
      %get3A_52 = tpu.vector_load %arg5[%get3A_51] {strides = array<i32>} : memref<512xf32, #tpu.memory_space<vmem>>, vector<16xf32>,
      %get3A_53 = vector.shape_cast %get3A_52 : vector<16xf32> to vector<16xf32>
      %add3A_54 = arith.constant 768 : i32
      %add3A_55 = arith.addi %add3A_54, %mul3A_2 : i32
      %get3A_56 = arith.index_cast %add3A_55 : i32 to index
      %get3A_57 = tpu.vector_load %arg6[%get3A_56] {strides = array<i32>} : memref<2048xf32, #tpu.memory_space<vmem>>, vector<16xf32>,
      %get3A_58 = vector.shape_cast %get3A_57 : vector<16xf32> to vector<16xf32>
      %add3A_59 = arith.addf %get3A_53, %get3A_58 : vector<16xf32>
      %gt3A_60 = arith.cmpf ogt, %add3A_59, %max3A_48 : vector<16xf32>
      %jit3A_61 = arith.constant 3 : i32
      %broadcast_in_dim3A_62 = vector.broadcast %jit3A_61 : i32 to vector<16xi32>
      %select_n3A_63 = arith.select %gt3A_60, %broadcast_in_dim3A_62, %select_n3A_47 : vector<16xi1>, vector<16xi32>
      %max3A_64 = arith.maximumf %max3A_48, %add3A_59 : vector<16xf32>
      %add3A_65 = arith.constant 256 : i32
      %add3A_66 = arith.addi %add3A_65, %select_n3A_11 : i32
      %get3A_67 = arith.index_cast %add3A_66 : i32 to index
      %get3A_68 = tpu.vector_load %arg5[%get3A_67] {strides = array<i32>} : memref<512xf32, #tpu.memory_space<vmem>>, vector<16xf32>,
      %get3A_69 = vector.shape_cast %get3A_68 : vector<16xf32> to vector<16xf32>
      %add3A_70 = arith.constant 1024 : i32
      %add3A_71 = arith.addi %add3A_70, %mul3A_2 : i32
      %get3A_72 = arith.index_cast %add3A_71 : i32 to index
      %get3A_73 = tpu.vector_load %arg6[%get3A_72] {strides = array<i32>} : memref<2048xf32, #tpu.memory_space<vmem>>, vector<16xf32>,
      %get3A_74 = vector.shape_cast %get3A_73 : vector<16xf32> to vector<16xf32>
      %add3A_75 = arith.addf %get3A_69, %get3A_74 : vector<16xf32>
      %gt3A_76 = arith.cmpf ogt, %add3A_75, %max3A_64 : vector<16xf32>
      %jit3A_77 = arith.constant 4 : i32
      %broadcast_in_dim3A_78 = vector.broadcast %jit3A_77 : i32 to vector<16xi32>
      %select_n3A_79 = arith.select %gt3A_76, %broadcast_in_dim3A_78, %select_n3A_63 : vector<16xi1>, vector<16xi32>
      %max3A_80 = arith.maximumf %max3A_64, %add3A_75 : vector<16xf32>
      %add3A_81 = arith.constant 320 : i32
      %add3A_82 = arith.addi %add3A_81, %select_n3A_11 : i32
      %get3A_83 = arith.index_cast %add3A_82 : i32 to index
      %get3A_84 = tpu.vector_load %arg5[%get3A_83] {strides = array<i32>} : memref<512xf32, #tpu.memory_space<vmem>>, vector<16xf32>,
      %get3A_85 = vector.shape_cast %get3A_84 : vector<16xf32> to vector<16xf32>
      %add3A_86 = arith.constant 1280 : i32
      %add3A_87 = arith.addi %add3A_86, %mul3A_2 : i32
      %get3A_88 = arith.index_cast %add3A_87 : i32 to index
      %get3A_89 = tpu.vector_load %arg6[%get3A_88] {strides = array<i32>} : memref<2048xf32, #tpu.memory_space<vmem>>, vector<16xf32>,
      %get3A_90 = vector.shape_cast %get3A_89 : vector<16xf32> to vector<16xf32>
      %add3A_91 = arith.addf %get3A_85, %get3A_90 : vector<16xf32>
      %gt3A_92 = arith.cmpf ogt, %add3A_91, %max3A_80 : vector<16xf32>
      %jit3A_93 = arith.constant 5 : i32
      %broadcast_in_dim3A_94 = vector.broadcast %jit3A_93 : i32 to vector<16xi32>
      %select_n3A_95 = arith.select %gt3A_92, %broadcast_in_dim3A_94, %select_n3A_79 : vector<16xi1>, vector<16xi32>
      %max3A_96 = arith.maximumf %max3A_80, %add3A_91 : vector<16xf32>
      %add3A_97 = arith.constant 384 : i32
      %add3A_98 = arith.addi %add3A_97, %select_n3A_11 : i32
      %get3A_99 = arith.index_cast %add3A_98 : i32 to index
      %get3A_100 = tpu.vector_load %arg5[%get3A_99] {strides = array<i32>} : memref<512xf32, #tpu.memory_space<vmem>>, vector<16xf32>,
      %get3A_101 = vector.shape_cast %get3A_100 : vector<16xf32> to vector<16xf32>
      %add3A_102 = arith.constant 1536 : i32
      %add3A_103 = arith.addi %add3A_102, %mul3A_2 : i32
      %get3A_104 = arith.index_cast %add3A_103 : i32 to index
      %get3A_105 = tpu.vector_load %arg6[%get3A_104] {strides = array<i32>} : memref<2048xf32, #tpu.memory_space<vmem>>, vector<16xf32>,
      %get3A_106 = vector.shape_cast %get3A_105 : vector<16xf32> to vector<16xf32>
      %add3A_107 = arith.addf %get3A_101, %get3A_106 : vector<16xf32>
      %gt3A_108 = arith.cmpf ogt, %add3A_107, %max3A_96 : vector<16xf32>
      %jit3A_109 = arith.constant 6 : i32
      %broadcast_in_dim3A_110 = vector.broadcast %jit3A_109 : i32 to vector<16xi32>
      %select_n3A_111 = arith.select %gt3A_108, %broadcast_in_dim3A_110, %select_n3A_95 : vector<16xi1>, vector<16xi32>
      %max3A_112 = arith.maximumf %max3A_96, %add3A_107 : vector<16xf32>
      %add3A_113 = arith.constant 448 : i32
      %add3A_114 = arith.addi %add3A_113, %select_n3A_11 : i32
      %get3A_115 = arith.index_cast %add3A_114 : i32 to index
      %get3A_116 = tpu.vector_load %arg5[%get3A_115] {strides = array<i32>} : memref<512xf32, #tpu.memory_space<vmem>>, vector<16xf32>,
      %get3A_117 = vector.shape_cast %get3A_116 : vector<16xf32> to vector<16xf32>
      %add3A_118 = arith.constant 1792 : i32
      %add3A_119 = arith.addi %add3A_118, %mul3A_2 : i32
      %get3A_120 = arith.index_cast %add3A_119 : i32 to index
      %get3A_121 = tpu.vector_load %arg6[%get3A_120] {strides = array<i32>} : memref<2048xf32, #tpu.memory_space<vmem>>, vector<16xf32>,
      %get3A_122 = vector.shape_cast %get3A_121 : vector<16xf32> to vector<16xf32>
      %add3A_123 = arith.addf %get3A_117, %get3A_122 : vector<16xf32>
      %gt3A_124 = arith.cmpf ogt, %add3A_123, %max3A_112 : vector<16xf32>
      %jit3A_125 = arith.constant 7 : i32
      %broadcast_in_dim3A_126 = vector.broadcast %jit3A_125 : i32 to vector<16xi32>
      %select_n3A_127 = arith.select %gt3A_124, %broadcast_in_dim3A_126, %select_n3A_111 : vector<16xi1>, vector<16xi32>
      %max3A_128 = arith.maximumf %max3A_112, %add3A_123 : vector<16xf32>
      %swap3A = arith.constant 0 : index
      %swap3A_129 = tpu.vector_load %arg7[%swap3A] {strides = array<i32>} : memref<16xi32, #tpu.memory_space<vmem>>, vector<16xi32>,
      %swap3A_130 = vector.shape_cast %swap3A_129 : vector<16xi32> to vector<16xi32>
      %swap3A_131 = vector.shape_cast %select_n3A_127 : vector<16xi32> to vector<16xi32>
      tpu.vector_store %arg7[%swap3A], %swap3A_131 {strides = array<i32>} : memref<16xi32, #tpu.memory_space<vmem>>, vector<16xi32>,
      "tpu.region"() ({
        %run_scoped3A = tpu.sem_alloc : memref<!tpu.dma_semaphore, #tpu.memory_space<semaphore_mem>>
        %dma_start3A = tpu.memref_slice %arg4[%mul3A_2] : memref<256xi32, #tpu.memory_space<hbm>> -> memref<16xi32, #tpu.memory_space<hbm>>
        %dma_start3A_132 = tpu.memref_slice %arg4[%mul3A_2] : memref<256xi32, #tpu.memory_space<hbm>> -> memref<16xi32, #tpu.memory_space<hbm>>
        tpu.enqueue_dma source(%arg7 : memref<16xi32, #tpu.memory_space<vmem>>) target(%dma_start3A_132 : memref<16xi32, #tpu.memory_space<hbm>>) target_semaphore(%run_scoped3A : memref<!tpu.dma_semaphore, #tpu.memory_space<semaphore_mem>>)
        %dma_wait3A = tpu.memref_slice %arg4[%mul3A_2] : memref<256xi32, #tpu.memory_space<hbm>> -> memref<16xi32, #tpu.memory_space<hbm>>
        %dma_wait3A_133 = tpu.memref_slice %arg4[%mul3A_2] : memref<256xi32, #tpu.memory_space<hbm>> -> memref<16xi32, #tpu.memory_space<hbm>>
        tpu.wait_dma2 semaphore(%run_scoped3A : memref<!tpu.dma_semaphore, #tpu.memory_space<semaphore_mem>>) src(%arg7 : memref<16xi32, #tpu.memory_space<vmem>>) dst(%dma_wait3A_133 : memref<16xi32, #tpu.memory_space<hbm>>)
        tpu.yield
      }) : () -> ()
    } else {
    }
    return
  }
}

module attributes {stable_mosaic.version = 14 : i64} {
  func.func @_moe_kernel(%arg0: memref<256x1xi32, #tpu.memory_space<vmem>>, %arg1: memref<4x1024xf32, #tpu.memory_space<vmem>>, %arg2: memref<64x64xf32, #tpu.memory_space<vmem>>, %arg3: memref<8x2064xf32, #tpu.memory_space<vmem>>, %arg4: memref<8x1024x16xf32, #tpu.memory_space<vmem>>, %arg5: memref<8x1088x1024xf32, #tpu.memory_space<any>>, %arg6: memref<8x1024x1024xf32, #tpu.memory_space<any>>, %arg7: memref<256x16xf32, #tpu.memory_space<vmem>>, %arg8: memref<256x8xi32, #tpu.memory_space<vmem>>, %arg9: memref<1x8xi32, #tpu.memory_space<vmem>>, %arg10: memref<1x8xi32, #tpu.memory_space<smem>>, %arg11: memref<!tpu.dma_semaphore, #tpu.memory_space<semaphore_mem>>) attributes {dimension_semantics = [], scalar_prefetch = 0 : i64, scratch_operands = 4 : i64, tpu.core_type = #tpu.core_type<tc>} {
    %broadcast_in_dim3A = arith.constant 0.000000e+00 : f32
    %broadcast_in_dim3A_0 = vector.broadcast %broadcast_in_dim3A : f32 to vector<256x16xf32>
    %swap3A = arith.constant 0 : index
    %swap3A_1 = arith.constant 0 : index
    %swap3A_2 = vector.load %arg7[%swap3A, %swap3A_1] : memref<256x16xf32, #tpu.memory_space<vmem>>, vector<256x16xf32>
    tpu.vector_store %arg7[%swap3A, %swap3A_1], %broadcast_in_dim3A_0 {strides = array<i32>} : memref<256x16xf32, #tpu.memory_space<vmem>>, vector<256x16xf32>,
    %get3A = arith.constant 0 : index
    %get3A_3 = arith.constant 0 : index
    %get3A_4 = vector.load %arg0[%get3A, %get3A_3] : memref<256x1xi32, #tpu.memory_space<vmem>>, vector<256x1xi32>
    %iota3A = tpu.iota {dimensions = array<i32: 1>} : vector<256x8xi32>
    %eq3A = vector.broadcast %get3A_4 : vector<256x1xi32> to vector<256x8xi32>
    %eq3A_5 = arith.cmpi eq, %eq3A, %iota3A : vector<256x8xi32>
    %convert_element_type3A = arith.extui %eq3A_5 : vector<256x8xi1> to vector<256x8xi32>
    %convert_element_type3A_6 = arith.sitofp %convert_element_type3A : vector<256x8xi32> to vector<256x8xf32>
    %convert_element_type3A_7 = arith.truncf %convert_element_type3A_6 : vector<256x8xf32> to vector<256x8xbf16>
    %broadcast_in_dim3A_8 = arith.constant 1.000000e+00 : bf16
    %broadcast_in_dim3A_9 = vector.broadcast %broadcast_in_dim3A_8 : bf16 to vector<1x256xbf16>
    %dot_general3A = arith.constant dense<0.000000e+00> : vector<1x8xf32>
    %dot_general3A_10 = tpu.matmul %broadcast_in_dim3A_9, %convert_element_type3A_7, %dot_general3A {dimension_numbers = #tpu.dot_dimension_numbers<[1], [0], [0], [1], [0, 0, 1, 1], [], []>, transpose_lhs_hint = false} : vector<1x256xbf16>, vector<256x8xbf16>, vector<1x8xf32> -> vector<1x8xf32>
    %convert_element_type3A_11 = arith.fptosi %dot_general3A_10 : vector<1x8xf32> to vector<1x8xi32>
    %swap3A_12 = arith.constant 0 : index
    %swap3A_13 = arith.constant 0 : index
    %swap3A_14 = vector.load %arg9[%swap3A_12, %swap3A_13] : memref<1x8xi32, #tpu.memory_space<vmem>>, vector<1x8xi32>
    tpu.vector_store %arg9[%swap3A_12, %swap3A_13], %convert_element_type3A_11 {strides = array<i32>} : memref<1x8xi32, #tpu.memory_space<vmem>>, vector<1x8xi32>,
    %iota3A_15 = tpu.iota {dimensions = array<i32: 0>} : vector<256x256xi32>
    %iota3A_16 = tpu.iota {dimensions = array<i32: 1>} : vector<256x256xi32>
    %le3A = arith.cmpi sle, %iota3A_16, %iota3A_15 : vector<256x256xi32>
    %convert_element_type3A_17 = arith.extui %le3A : vector<256x256xi1> to vector<256x256xi32>
    %convert_element_type3A_18 = arith.sitofp %convert_element_type3A_17 : vector<256x256xi32> to vector<256x256xf32>
    %convert_element_type3A_19 = arith.truncf %convert_element_type3A_18 : vector<256x256xf32> to vector<256x256xbf16>
    %dot_general3A_20 = arith.constant dense<0.000000e+00> : vector<256x8xf32>
    %dot_general3A_21 = tpu.matmul %convert_element_type3A_19, %convert_element_type3A_7, %dot_general3A_20 {dimension_numbers = #tpu.dot_dimension_numbers<[1], [0], [0], [1], [0, 0, 1, 1], [], []>, transpose_lhs_hint = false} : vector<256x256xbf16>, vector<256x8xbf16>, vector<256x8xf32> -> vector<256x8xf32>
    %convert_element_type3A_22 = arith.extf %convert_element_type3A_7 : vector<256x8xbf16> to vector<256x8xf32>
    %mul3A = arith.mulf %dot_general3A_21, %convert_element_type3A_22 : vector<256x8xf32>
    %reduce_sum3A = arith.constant dense<0.000000e+00> : vector<256xf32>
    %reduce_sum3A_23 = vector.multi_reduction <add>, %mul3A, %reduce_sum3A [1] : vector<256x8xf32> to vector<256xf32>
    %broadcast_in_dim3A_24 = vector.shape_cast %reduce_sum3A_23 : vector<256xf32> to vector<256x1xf32>
    %sub3A = arith.constant 1.000000e+00 : f32
    %sub3A_25 = vector.broadcast %sub3A : f32 to vector<256x1xf32>
    %sub3A_26 = arith.subf %broadcast_in_dim3A_24, %sub3A_25 : vector<256x1xf32>
    %iota3A_27 = tpu.iota {dimensions = array<i32: 1>} : vector<256x256xi32>
    %convert_element_type3A_28 = arith.sitofp %iota3A_27 : vector<256x256xi32> to vector<256x256xf32>
    %eq3A_29 = vector.broadcast %sub3A_26 : vector<256x1xf32> to vector<256x256xf32>
    %eq3A_30 = arith.cmpf oeq, %eq3A_29, %convert_element_type3A_28 : vector<256x256xf32>
    %convert_element_type3A_31 = arith.extui %eq3A_30 : vector<256x256xi1> to vector<256x256xi32>
    %convert_element_type3A_32 = arith.sitofp %convert_element_type3A_31 : vector<256x256xi32> to vector<256x256xf32>
    %convert_element_type3A_33 = arith.truncf %convert_element_type3A_32 : vector<256x256xf32> to vector<256x256xbf16>
    %iota3A_34 = tpu.iota {dimensions = array<i32: 0>} : vector<256x8xi32>
    %convert_element_type3A_35 = arith.sitofp %iota3A_34 : vector<256x8xi32> to vector<256x8xbf16>
    %mul3A_36 = arith.mulf %convert_element_type3A_35, %convert_element_type3A_7 : vector<256x8xbf16>
    %dot_general3A_37 = arith.constant dense<0.000000e+00> : vector<256x8xf32>
    %dot_general3A_38 = tpu.matmul %convert_element_type3A_33, %mul3A_36, %dot_general3A_37 {dimension_numbers = #tpu.dot_dimension_numbers<[0], [0], [1], [1], [0, 1, 1, 1], [], []>, transpose_lhs_hint = false} : vector<256x256xbf16>, vector<256x8xbf16>, vector<256x8xf32> -> vector<256x8xf32>
    %convert_element_type3A_39 = arith.fptosi %dot_general3A_38 : vector<256x8xf32> to vector<256x8xi32>
    %swap3A_40 = arith.constant 0 : index
    %swap3A_41 = arith.constant 0 : index
    %swap3A_42 = vector.load %arg8[%swap3A_40, %swap3A_41] : memref<256x8xi32, #tpu.memory_space<vmem>>, vector<256x8xi32>
    tpu.vector_store %arg8[%swap3A_40, %swap3A_41], %convert_element_type3A_39 {strides = array<i32>} : memref<256x8xi32, #tpu.memory_space<vmem>>, vector<256x8xi32>,
    tpu.enqueue_dma source(%arg9 : memref<1x8xi32, #tpu.memory_space<vmem>>) target(%arg10 : memref<1x8xi32, #tpu.memory_space<smem>>) target_semaphore(%arg11 : memref<!tpu.dma_semaphore, #tpu.memory_space<semaphore_mem>>)
    tpu.wait_dma2 semaphore(%arg11 : memref<!tpu.dma_semaphore, #tpu.memory_space<semaphore_mem>>) src(%arg9 : memref<1x8xi32, #tpu.memory_space<vmem>>) dst(%arg10 : memref<1x8xi32, #tpu.memory_space<smem>>)
    %get3A_43 = arith.constant 0 : index
    %get3A_44 = arith.constant 0 : index
    %get3A_45 = vector.load %arg1[%get3A_43, %get3A_44] : memref<4x1024xf32, #tpu.memory_space<vmem>>, vector<4x1024xf32>
    %convert_element_type3A_46 = arith.truncf %get3A_45 : vector<4x1024xf32> to vector<4x1024xbf16>
    %get3A_47 = arith.constant 0 : index
    %get3A_48 = arith.constant 0 : index
    %get3A_49 = vector.load %arg2[%get3A_47, %get3A_48] : memref<64x64xf32, #tpu.memory_space<vmem>>, vector<64x64xf32>
    %convert_element_type3A_50 = arith.truncf %get3A_49 : vector<64x64xf32> to vector<64x64xbf16>
    "tpu.region"() ({
      %run_scoped3A = memref.alloca() : memref<2x1x1088x1024xf32, #tpu.memory_space<vmem>>
      %run_scoped3A_51 = tpu.sem_alloc : memref<2x!tpu.dma_semaphore, #tpu.memory_space<semaphore_mem>>
      %run_scoped3A_52 = memref.alloca() : memref<2x1x1024x1024xf32, #tpu.memory_space<vmem>>
      %run_scoped3A_53 = tpu.sem_alloc : memref<2x!tpu.dma_semaphore, #tpu.memory_space<semaphore_mem>>
      %select_n3A = arith.constant true
      %select_n3A_54 = arith.constant 0 : i32
      %select_n3A_55 = arith.constant -1 : i32
      %select_n3A_56 = arith.select %select_n3A, %select_n3A_55, %select_n3A_54 : i32
      %eq3A_57 = arith.constant -1 : i32
      %eq3A_58 = arith.cmpi eq, %select_n3A_56, %eq3A_57 : i32
      %select_n3A_59 = arith.constant 7 : i32
      %select_n3A_60 = arith.select %eq3A_58, %select_n3A_59, %select_n3A_56 : i32
      %add3A = arith.constant 0 : i32
      %add3A_61 = arith.addi %select_n3A_60, %add3A : i32
      %select_n3A_62 = arith.constant true
      %select_n3A_63 = arith.constant 0 : i32
      %select_n3A_64 = arith.constant 1 : i32
      %select_n3A_65 = arith.select %select_n3A_62, %select_n3A_64, %select_n3A_63 : i32
      %eq3A_66 = arith.constant 8 : i32
      %eq3A_67 = arith.cmpi eq, %select_n3A_65, %eq3A_66 : i32
      %select_n3A_68 = arith.constant 0 : i32
      %select_n3A_69 = arith.select %eq3A_67, %select_n3A_68, %select_n3A_65 : i32
      %add3A_70 = arith.constant 0 : i32
      %add3A_71 = arith.addi %select_n3A_69, %add3A_70 : i32
      %add3A_72 = arith.constant 1 : i32
      %add3A_73 = arith.addi %select_n3A_69, %add3A_72 : i32
      %select_n3A_74 = arith.constant true
      %select_n3A_75 = arith.select %select_n3A_74, %add3A_73, %select_n3A_69 : i32
      %eq3A_76 = arith.constant 8 : i32
      %eq3A_77 = arith.cmpi eq, %select_n3A_75, %eq3A_76 : i32
      %select_n3A_78 = arith.constant 0 : i32
      %select_n3A_79 = arith.select %eq3A_77, %select_n3A_78, %select_n3A_75 : i32
      %add3A_80 = arith.constant 0 : i32
      %add3A_81 = arith.addi %select_n3A_79, %add3A_80 : i32
      "tpu.trace_start"() <{level = 10 : i32, message = "ep_initialize_0"}> : () -> ()
      %rem3A = arith.constant 0 : i32
      %rem3A_82 = arith.constant 2 : i32
      %rem3A_83 = arith.remui %rem3A, %rem3A_82 : i32
      %dma_start3A = tpu.memref_slice %run_scoped3A_51[%rem3A_83] : memref<2x!tpu.dma_semaphore, #tpu.memory_space<semaphore_mem>> -> memref<1x!tpu.dma_semaphore, #tpu.memory_space<semaphore_mem>>
      %dma_start3A_84 = tpu.memref_squeeze %dma_start3A : memref<1x!tpu.dma_semaphore, #tpu.memory_space<semaphore_mem>> -> memref<!tpu.dma_semaphore, #tpu.memory_space<semaphore_mem>>
      %dma_start3A_85 = arith.constant 0 : i32
      %dma_start3A_86 = arith.constant 0 : i32
      %dma_start3A_87 = arith.constant 0 : i32
      %dma_start3A_88 = tpu.memref_slice %run_scoped3A[%rem3A_83, %dma_start3A_85, %dma_start3A_86, %dma_start3A_87] : memref<2x1x1088x1024xf32, #tpu.memory_space<vmem>> -> memref<1x1x1088x1024xf32, #tpu.memory_space<vmem>>
      %dma_start3A_89 = tpu.memref_squeeze %dma_start3A_88 : memref<1x1x1088x1024xf32, #tpu.memory_space<vmem>> -> memref<1x1088x1024xf32, #tpu.memory_space<vmem>>
      %dma_start3A_90 = arith.constant 0 : i32
      %dma_start3A_91 = arith.constant 0 : i32
      %dma_start3A_92 = arith.constant 0 : i32
      %dma_start3A_93 = tpu.memref_slice %arg5[%dma_start3A_90, %dma_start3A_91, %dma_start3A_92] : memref<8x1088x1024xf32, #tpu.memory_space<any>> -> memref<1x1088x1024xf32, #tpu.memory_space<any>>
      tpu.enqueue_dma source(%dma_start3A_93 : memref<1x1088x1024xf32, #tpu.memory_space<any>>) target(%dma_start3A_89 : memref<1x1088x1024xf32, #tpu.memory_space<vmem>>) target_semaphore(%dma_start3A_84 : memref<!tpu.dma_semaphore, #tpu.memory_space<semaphore_mem>>)
      %add3A_94 = arith.constant 0 : i32
      %add3A_95 = arith.constant 1 : i32
      %add3A_96 = arith.addi %add3A_94, %add3A_95 : i32
      %select_n3A_97 = arith.constant true
      %select_n3A_98 = arith.constant 0 : i32
      %select_n3A_99 = arith.select %select_n3A_97, %add3A_96, %select_n3A_98 : i32
      %rem3A_100 = arith.constant 0 : i32
      %rem3A_101 = arith.constant 2 : i32
      %rem3A_102 = arith.remui %rem3A_100, %rem3A_101 : i32
      %dma_start3A_103 = tpu.memref_slice %run_scoped3A_53[%rem3A_102] : memref<2x!tpu.dma_semaphore, #tpu.memory_space<semaphore_mem>> -> memref<1x!tpu.dma_semaphore, #tpu.memory_space<semaphore_mem>>
      %dma_start3A_104 = tpu.memref_squeeze %dma_start3A_103 : memref<1x!tpu.dma_semaphore, #tpu.memory_space<semaphore_mem>> -> memref<!tpu.dma_semaphore, #tpu.memory_space<semaphore_mem>>
      %dma_start3A_105 = arith.constant 0 : i32
      %dma_start3A_106 = arith.constant 0 : i32
      %dma_start3A_107 = arith.constant 0 : i32
      %dma_start3A_108 = tpu.memref_slice %run_scoped3A_52[%rem3A_102, %dma_start3A_105, %dma_start3A_106, %dma_start3A_107] : memref<2x1x1024x1024xf32, #tpu.memory_space<vmem>> -> memref<1x1x1024x1024xf32, #tpu.memory_space<vmem>>
      %dma_start3A_109 = tpu.memref_squeeze %dma_start3A_108 : memref<1x1x1024x1024xf32, #tpu.memory_space<vmem>> -> memref<1x1024x1024xf32, #tpu.memory_space<vmem>>
      %dma_start3A_110 = arith.constant 0 : i32
      %dma_start3A_111 = arith.constant 0 : i32
      %dma_start3A_112 = arith.constant 0 : i32
      %dma_start3A_113 = tpu.memref_slice %arg6[%dma_start3A_110, %dma_start3A_111, %dma_start3A_112] : memref<8x1024x1024xf32, #tpu.memory_space<any>> -> memref<1x1024x1024xf32, #tpu.memory_space<any>>
      tpu.enqueue_dma source(%dma_start3A_113 : memref<1x1024x1024xf32, #tpu.memory_space<any>>) target(%dma_start3A_109 : memref<1x1024x1024xf32, #tpu.memory_space<vmem>>) target_semaphore(%dma_start3A_104 : memref<!tpu.dma_semaphore, #tpu.memory_space<semaphore_mem>>)
      %add3A_114 = arith.constant 0 : i32
      %add3A_115 = arith.constant 1 : i32
      %add3A_116 = arith.addi %add3A_114, %add3A_115 : i32
      %select_n3A_117 = arith.constant true
      %select_n3A_118 = arith.constant 0 : i32
      %select_n3A_119 = arith.select %select_n3A_117, %add3A_116, %select_n3A_118 : i32
      "tpu.trace_stop"() : () -> ()
      %scan3A = arith.constant 0 : i32
      %scan3A_120 = arith.constant 0 : i32
      %scan3A_121 = arith.constant 0 : i32
      %scan3A_122 = arith.constant 0 : i32
      %scan3A_123 = arith.constant 8 : i32
      %scan3A_124 = arith.addi %scan3A_122, %scan3A_123 : i32
      %scan3A_125 = arith.constant 1 : i32
      %scan3A_126:5 = scf.for %scan3A_168 = %scan3A_122 to %scan3A_124 step %scan3A_125 iter_args(%scan3A_169 = %select_n3A_99, %scan3A_170 = %scan3A, %scan3A_171 = %select_n3A_119, %scan3A_172 = %scan3A_120, %scan3A_173 = %scan3A_121) -> (i32, i32, i32, i32, i32)  : i32 {
        %eq3A_174 = arith.constant 0 : i32
        %eq3A_175 = arith.cmpi eq, %scan3A_168, %eq3A_174 : i32
        %eq3A_176 = arith.constant 7 : i32
        %eq3A_177 = arith.cmpi eq, %scan3A_168, %eq3A_176 : i32
        %add3A_178 = arith.constant 0 : i32
        %add3A_179 = arith.addi %scan3A_173, %add3A_178 : i32
        %sub3A_180 = arith.constant 1 : i32
        %sub3A_181 = arith.subi %scan3A_173, %sub3A_180 : i32
        %select_n3A_182 = arith.constant true
        %select_n3A_183 = arith.select %select_n3A_182, %sub3A_181, %scan3A_173 : i32
        %eq3A_184 = arith.constant -1 : i32
        %eq3A_185 = arith.cmpi eq, %select_n3A_183, %eq3A_184 : i32
        %select_n3A_186 = arith.constant 7 : i32
        %select_n3A_187 = arith.select %eq3A_185, %select_n3A_186, %select_n3A_183 : i32
        %add3A_188 = arith.constant 0 : i32
        %add3A_189 = arith.addi %select_n3A_187, %add3A_188 : i32
        %add3A_190 = arith.constant 1 : i32
        %add3A_191 = arith.addi %scan3A_173, %add3A_190 : i32
        %select_n3A_192 = arith.constant true
        %select_n3A_193 = arith.select %select_n3A_192, %add3A_191, %scan3A_173 : i32
        %eq3A_194 = arith.constant 8 : i32
        %eq3A_195 = arith.cmpi eq, %select_n3A_193, %eq3A_194 : i32
        %select_n3A_196 = arith.constant 0 : i32
        %select_n3A_197 = arith.select %eq3A_195, %select_n3A_196, %select_n3A_193 : i32
        %add3A_198 = arith.constant 0 : i32
        %add3A_199 = arith.addi %select_n3A_197, %add3A_198 : i32
        %add3A_200 = arith.constant 1 : i32
        %add3A_201 = arith.addi %select_n3A_197, %add3A_200 : i32
        %select_n3A_202 = arith.constant true
        %select_n3A_203 = arith.select %select_n3A_202, %add3A_201, %select_n3A_197 : i32
        %eq3A_204 = arith.constant 8 : i32
        %eq3A_205 = arith.cmpi eq, %select_n3A_203, %eq3A_204 : i32
        %select_n3A_206 = arith.constant 0 : i32
        %select_n3A_207 = arith.select %eq3A_205, %select_n3A_206, %select_n3A_203 : i32
        %add3A_208 = arith.constant 0 : i32
        %add3A_209 = arith.addi %select_n3A_207, %add3A_208 : i32
        %ne3A = arith.cmpi ne, %add3A_179, %add3A_199 : i32
        %or3A = arith.constant false
        %or3A_210 = arith.ori %or3A, %ne3A : i1
        %or3A_211 = arith.constant false
        %or3A_212 = arith.ori %or3A_210, %or3A_211 : i1
        %or3A_213 = arith.constant false
        %or3A_214 = arith.ori %or3A_212, %or3A_213 : i1
        %ge3A = arith.constant 7 : i32
        %ge3A_215 = arith.cmpi sge, %scan3A_168, %ge3A : i32
        %not3A = arith.constant true
        %not3A_216 = arith.xori %ge3A_215, %not3A : i1
        %and3A = arith.andi %or3A_214, %not3A_216 : i1
        %convert_element_type3A_217 = arith.extui %and3A : i1 to i32
        %cond3A = arith.constant 0 : i32
        %cond3A_218 = arith.cmpi ne, %convert_element_type3A_217, %cond3A : i32
        scf.if %cond3A_218 {
          "tpu.trace_start"() <{level = 10 : i32, message = "ep_copy_in"}> : () -> ()
          %rem3A_515 = arith.constant 2 : i32
          %rem3A_516 = arith.remui %scan3A_169, %rem3A_515 : i32
          %mul3A_517 = arith.constant 1 : i32
          %mul3A_518 = arith.muli %mul3A_517, %add3A_199 : i32
          %dma_start3A_519 = tpu.memref_slice %run_scoped3A_51[%rem3A_516] : memref<2x!tpu.dma_semaphore, #tpu.memory_space<semaphore_mem>> -> memref<1x!tpu.dma_semaphore, #tpu.memory_space<semaphore_mem>>
          %dma_start3A_520 = tpu.memref_squeeze %dma_start3A_519 : memref<1x!tpu.dma_semaphore, #tpu.memory_space<semaphore_mem>> -> memref<!tpu.dma_semaphore, #tpu.memory_space<semaphore_mem>>
          %dma_start3A_521 = arith.constant 0 : i32
          %dma_start3A_522 = arith.constant 0 : i32
          %dma_start3A_523 = arith.constant 0 : i32
          %dma_start3A_524 = tpu.memref_slice %run_scoped3A[%rem3A_516, %dma_start3A_521, %dma_start3A_522, %dma_start3A_523] : memref<2x1x1088x1024xf32, #tpu.memory_space<vmem>> -> memref<1x1x1088x1024xf32, #tpu.memory_space<vmem>>
          %dma_start3A_525 = tpu.memref_squeeze %dma_start3A_524 : memref<1x1x1088x1024xf32, #tpu.memory_space<vmem>> -> memref<1x1088x1024xf32, #tpu.memory_space<vmem>>
          %dma_start3A_526 = arith.constant 0 : i32
          %dma_start3A_527 = arith.constant 0 : i32
          %dma_start3A_528 = tpu.memref_slice %arg5[%mul3A_518, %dma_start3A_526, %dma_start3A_527] : memref<8x1088x1024xf32, #tpu.memory_space<any>> -> memref<1x1088x1024xf32, #tpu.memory_space<any>>
          tpu.enqueue_dma source(%dma_start3A_528 : memref<1x1088x1024xf32, #tpu.memory_space<any>>) target(%dma_start3A_525 : memref<1x1088x1024xf32, #tpu.memory_space<vmem>>) target_semaphore(%dma_start3A_520 : memref<!tpu.dma_semaphore, #tpu.memory_space<semaphore_mem>>)
          "tpu.trace_stop"() : () -> ()
        } else {
        }
        %and3A_219 = arith.constant true
        %and3A_220 = arith.andi %and3A, %and3A_219 : i1
        %add3A_221 = arith.constant 1 : i32
        %add3A_222 = arith.addi %scan3A_169, %add3A_221 : i32
        %select_n3A_223 = arith.select %and3A_220, %add3A_222, %scan3A_169 : i32
        %ne3A_224 = arith.cmpi ne, %add3A_179, %add3A_199 : i32
        %or3A_225 = arith.constant false
        %or3A_226 = arith.ori %or3A_225, %ne3A_224 : i1
        %or3A_227 = arith.constant false
        %or3A_228 = arith.ori %or3A_226, %or3A_227 : i1
        %or3A_229 = arith.constant false
        %or3A_230 = arith.ori %or3A_228, %or3A_229 : i1
        %ge3A_231 = arith.constant 7 : i32
        %ge3A_232 = arith.cmpi sge, %scan3A_168, %ge3A_231 : i32
        %not3A_233 = arith.constant true
        %not3A_234 = arith.xori %ge3A_232, %not3A_233 : i1
        %and3A_235 = arith.andi %or3A_230, %not3A_234 : i1
        %convert_element_type3A_236 = arith.extui %and3A_235 : i1 to i32
        %cond3A_237 = arith.constant 0 : i32
        %cond3A_238 = arith.cmpi ne, %convert_element_type3A_236, %cond3A_237 : i32
        scf.if %cond3A_238 {
          "tpu.trace_start"() <{level = 10 : i32, message = "ep_copy_in"}> : () -> ()
          %rem3A_515 = arith.constant 2 : i32
          %rem3A_516 = arith.remui %scan3A_171, %rem3A_515 : i32
          %mul3A_517 = arith.constant 1 : i32
          %mul3A_518 = arith.muli %mul3A_517, %add3A_199 : i32
          %dma_start3A_519 = tpu.memref_slice %run_scoped3A_53[%rem3A_516] : memref<2x!tpu.dma_semaphore, #tpu.memory_space<semaphore_mem>> -> memref<1x!tpu.dma_semaphore, #tpu.memory_space<semaphore_mem>>
          %dma_start3A_520 = tpu.memref_squeeze %dma_start3A_519 : memref<1x!tpu.dma_semaphore, #tpu.memory_space<semaphore_mem>> -> memref<!tpu.dma_semaphore, #tpu.memory_space<semaphore_mem>>
          %dma_start3A_521 = arith.constant 0 : i32
          %dma_start3A_522 = arith.constant 0 : i32
          %dma_start3A_523 = arith.constant 0 : i32
          %dma_start3A_524 = tpu.memref_slice %run_scoped3A_52[%rem3A_516, %dma_start3A_521, %dma_start3A_522, %dma_start3A_523] : memref<2x1x1024x1024xf32, #tpu.memory_space<vmem>> -> memref<1x1x1024x1024xf32, #tpu.memory_space<vmem>>
          %dma_start3A_525 = tpu.memref_squeeze %dma_start3A_524 : memref<1x1x1024x1024xf32, #tpu.memory_space<vmem>> -> memref<1x1024x1024xf32, #tpu.memory_space<vmem>>
          %dma_start3A_526 = arith.constant 0 : i32
          %dma_start3A_527 = arith.constant 0 : i32
          %dma_start3A_528 = tpu.memref_slice %arg6[%mul3A_518, %dma_start3A_526, %dma_start3A_527] : memref<8x1024x1024xf32, #tpu.memory_space<any>> -> memref<1x1024x1024xf32, #tpu.memory_space<any>>
          tpu.enqueue_dma source(%dma_start3A_528 : memref<1x1024x1024xf32, #tpu.memory_space<any>>) target(%dma_start3A_525 : memref<1x1024x1024xf32, #tpu.memory_space<vmem>>) target_semaphore(%dma_start3A_520 : memref<!tpu.dma_semaphore, #tpu.memory_space<semaphore_mem>>)
          "tpu.trace_stop"() : () -> ()
        } else {
        }
        %and3A_239 = arith.constant true
        %and3A_240 = arith.andi %and3A_235, %and3A_239 : i1
        %add3A_241 = arith.constant 1 : i32
        %add3A_242 = arith.addi %scan3A_171, %add3A_241 : i32
        %select_n3A_243 = arith.select %and3A_240, %add3A_242, %scan3A_171 : i32
        %ne3A_244 = arith.cmpi ne, %add3A_179, %add3A_189 : i32
        %or3A_245 = arith.constant false
        %or3A_246 = arith.ori %or3A_245, %ne3A_244 : i1
        %or3A_247 = arith.constant false
        %or3A_248 = arith.ori %or3A_246, %or3A_247 : i1
        %or3A_249 = arith.constant false
        %or3A_250 = arith.ori %or3A_248, %or3A_249 : i1
        %or3A_251 = arith.ori %or3A_250, %eq3A_175 : i1
        %convert_element_type3A_252 = arith.extui %or3A_251 : i1 to i32
        %cond3A_253 = arith.constant 0 : i32
        %cond3A_254 = arith.cmpi ne, %convert_element_type3A_252, %cond3A_253 : i32
        scf.if %cond3A_254 {
          "tpu.trace_start"() <{level = 10 : i32, message = "ep_wait_in"}> : () -> ()
          %mul3A_515 = arith.constant 1 : i32
          %mul3A_516 = arith.muli %mul3A_515, %add3A_179 : i32
          %rem3A_517 = arith.constant 2 : i32
          %rem3A_518 = arith.remui %scan3A_170, %rem3A_517 : i32
          %dma_wait3A = tpu.memref_slice %run_scoped3A_51[%rem3A_518] : memref<2x!tpu.dma_semaphore, #tpu.memory_space<semaphore_mem>> -> memref<1x!tpu.dma_semaphore, #tpu.memory_space<semaphore_mem>>
          %dma_wait3A_519 = tpu.memref_squeeze %dma_wait3A : memref<1x!tpu.dma_semaphore, #tpu.memory_space<semaphore_mem>> -> memref<!tpu.dma_semaphore, #tpu.memory_space<semaphore_mem>>
          %dma_wait3A_520 = arith.constant 0 : i32
          %dma_wait3A_521 = arith.constant 0 : i32
          %dma_wait3A_522 = arith.constant 0 : i32
          %dma_wait3A_523 = tpu.memref_slice %run_scoped3A[%rem3A_518, %dma_wait3A_520, %dma_wait3A_521, %dma_wait3A_522] : memref<2x1x1088x1024xf32, #tpu.memory_space<vmem>> -> memref<1x1x1088x1024xf32, #tpu.memory_space<vmem>>
          %dma_wait3A_524 = tpu.memref_squeeze %dma_wait3A_523 : memref<1x1x1088x1024xf32, #tpu.memory_space<vmem>> -> memref<1x1088x1024xf32, #tpu.memory_space<vmem>>
          %dma_wait3A_525 = arith.constant 0 : i32
          %dma_wait3A_526 = arith.constant 0 : i32
          %dma_wait3A_527 = tpu.memref_slice %arg5[%mul3A_516, %dma_wait3A_525, %dma_wait3A_526] : memref<8x1088x1024xf32, #tpu.memory_space<any>> -> memref<1x1088x1024xf32, #tpu.memory_space<any>>
          tpu.wait_dma2 semaphore(%dma_wait3A_519 : memref<!tpu.dma_semaphore, #tpu.memory_space<semaphore_mem>>) src(%dma_wait3A_527 : memref<1x1088x1024xf32, #tpu.memory_space<any>>) dst(%dma_wait3A_524 : memref<1x1088x1024xf32, #tpu.memory_space<vmem>>)
          "tpu.trace_stop"() : () -> ()
        } else {
        }
        %ne3A_255 = arith.cmpi ne, %add3A_179, %add3A_189 : i32
        %or3A_256 = arith.constant false
        %or3A_257 = arith.ori %or3A_256, %ne3A_255 : i1
        %or3A_258 = arith.constant false
        %or3A_259 = arith.ori %or3A_257, %or3A_258 : i1
        %or3A_260 = arith.constant false
        %or3A_261 = arith.ori %or3A_259, %or3A_260 : i1
        %or3A_262 = arith.ori %or3A_261, %eq3A_175 : i1
        %convert_element_type3A_263 = arith.extui %or3A_262 : i1 to i32
        %cond3A_264 = arith.constant 0 : i32
        %cond3A_265 = arith.cmpi ne, %convert_element_type3A_263, %cond3A_264 : i32
        scf.if %cond3A_265 {
          "tpu.trace_start"() <{level = 10 : i32, message = "ep_wait_in"}> : () -> ()
          %mul3A_515 = arith.constant 1 : i32
          %mul3A_516 = arith.muli %mul3A_515, %add3A_179 : i32
          %rem3A_517 = arith.constant 2 : i32
          %rem3A_518 = arith.remui %scan3A_172, %rem3A_517 : i32
          %dma_wait3A = tpu.memref_slice %run_scoped3A_53[%rem3A_518] : memref<2x!tpu.dma_semaphore, #tpu.memory_space<semaphore_mem>> -> memref<1x!tpu.dma_semaphore, #tpu.memory_space<semaphore_mem>>
          %dma_wait3A_519 = tpu.memref_squeeze %dma_wait3A : memref<1x!tpu.dma_semaphore, #tpu.memory_space<semaphore_mem>> -> memref<!tpu.dma_semaphore, #tpu.memory_space<semaphore_mem>>
          %dma_wait3A_520 = arith.constant 0 : i32
          %dma_wait3A_521 = arith.constant 0 : i32
          %dma_wait3A_522 = arith.constant 0 : i32
          %dma_wait3A_523 = tpu.memref_slice %run_scoped3A_52[%rem3A_518, %dma_wait3A_520, %dma_wait3A_521, %dma_wait3A_522] : memref<2x1x1024x1024xf32, #tpu.memory_space<vmem>> -> memref<1x1x1024x1024xf32, #tpu.memory_space<vmem>>
          %dma_wait3A_524 = tpu.memref_squeeze %dma_wait3A_523 : memref<1x1x1024x1024xf32, #tpu.memory_space<vmem>> -> memref<1x1024x1024xf32, #tpu.memory_space<vmem>>
          %dma_wait3A_525 = arith.constant 0 : i32
          %dma_wait3A_526 = arith.constant 0 : i32
          %dma_wait3A_527 = tpu.memref_slice %arg6[%mul3A_516, %dma_wait3A_525, %dma_wait3A_526] : memref<8x1024x1024xf32, #tpu.memory_space<any>> -> memref<1x1024x1024xf32, #tpu.memory_space<any>>
          tpu.wait_dma2 semaphore(%dma_wait3A_519 : memref<!tpu.dma_semaphore, #tpu.memory_space<semaphore_mem>>) src(%dma_wait3A_527 : memref<1x1024x1024xf32, #tpu.memory_space<any>>) dst(%dma_wait3A_524 : memref<1x1024x1024xf32, #tpu.memory_space<vmem>>)
          "tpu.trace_stop"() : () -> ()
        } else {
        }
        %rem3A_266 = arith.constant 2 : i32
        %rem3A_267 = arith.remui %scan3A_170, %rem3A_266 : i32
        %rem3A_268 = arith.constant 2 : i32
        %rem3A_269 = arith.remui %scan3A_172, %rem3A_268 : i32
        "tpu.trace_start"() <{level = 10 : i32, message = "ep_run_kernel"}> : () -> ()
        %get3A_270 = arith.constant 0 : index
        %get3A_271 = arith.index_cast %add3A_179 : i32 to index
        %get3A_272 = memref.load %arg10[%get3A_270, %get3A_271] : memref<1x8xi32, #tpu.memory_space<smem>>
        %get3A_273 = arith.constant 0 : i32
        %get3A_274 = arith.constant 0 : i32
        %get3A_275 = arith.constant 0 : i32
        %get3A_276 = tpu.memref_slice %run_scoped3A[%rem3A_267, %get3A_273, %get3A_274, %get3A_275] : memref<2x1x1088x1024xf32, #tpu.memory_space<vmem>> -> memref<1x1x1088x1024xf32, #tpu.memory_space<vmem>>
        %get3A_277 = tpu.memref_squeeze %get3A_276 : memref<1x1x1088x1024xf32, #tpu.memory_space<vmem>> -> memref<1x1088x1024xf32, #tpu.memory_space<vmem>>
        %get3A_278 = arith.constant 0 : index
        %get3A_279 = arith.constant 0 : index
        %get3A_280 = arith.constant 0 : index
        %get3A_281 = vector.load %get3A_277[%get3A_278, %get3A_279, %get3A_280] : memref<1x1088x1024xf32, #tpu.memory_space<vmem>>, vector<1x1088x1024xf32>
        %get3A_282 = vector.shape_cast %get3A_281 : vector<1x1088x1024xf32> to vector<1088x1024xf32>
        %slice3A = vector.extract_strided_slice %get3A_282 {offsets = [64, 0], sizes = [1024, 1024], strides = [1, 1]} : vector<1088x1024xf32> to vector<1024x1024xf32>
        %convert_element_type3A_283 = arith.truncf %slice3A : vector<1024x1024xf32> to vector<1024x1024xbf16>
        %dot_general3A_284 = arith.constant dense<0.000000e+00> : vector<4x1024xf32>
        %dot_general3A_285 = tpu.matmul %convert_element_type3A_46, %convert_element_type3A_283, %dot_general3A_284 {dimension_numbers = #tpu.dot_dimension_numbers<[1], [0], [0], [1], [0, 0, 1, 1], [], []>, transpose_lhs_hint = false} : vector<4x1024xbf16>, vector<1024x1024xbf16>, vector<4x1024xf32> -> vector<4x1024xf32>
        %slice3A_286 = vector.extract_strided_slice %get3A_282 {offsets = [0, 0], sizes = [64, 1024], strides = [1, 1]} : vector<1088x1024xf32> to vector<64x1024xf32>
        %convert_element_type3A_287 = arith.truncf %slice3A_286 : vector<64x1024xf32> to vector<64x1024xbf16>
        %dot_general3A_288 = arith.constant dense<0.000000e+00> : vector<64x1024xf32>
        %dot_general3A_289 = tpu.matmul %convert_element_type3A_50, %convert_element_type3A_287, %dot_general3A_288 {dimension_numbers = #tpu.dot_dimension_numbers<[1], [0], [0], [1], [0, 0, 1, 1], [], []>, transpose_lhs_hint = false} : vector<64x64xbf16>, vector<64x1024xbf16>, vector<64x1024xf32> -> vector<64x1024xf32>
        %get3A_290 = arith.constant 0 : i32
        %get3A_291 = arith.constant 0 : i32
        %get3A_292 = arith.constant 0 : i32
        %get3A_293 = tpu.memref_slice %run_scoped3A_52[%rem3A_269, %get3A_290, %get3A_291, %get3A_292] : memref<2x1x1024x1024xf32, #tpu.memory_space<vmem>> -> memref<1x1x1024x1024xf32, #tpu.memory_space<vmem>>
        %get3A_294 = tpu.memref_squeeze %get3A_293 : memref<1x1x1024x1024xf32, #tpu.memory_space<vmem>> -> memref<1x1024x1024xf32, #tpu.memory_space<vmem>>
        %get3A_295 = arith.constant 0 : index
        %get3A_296 = arith.constant 0 : index
        %get3A_297 = arith.constant 0 : index
        %get3A_298 = vector.load %get3A_294[%get3A_295, %get3A_296, %get3A_297] : memref<1x1024x1024xf32, #tpu.memory_space<vmem>>, vector<1x1024x1024xf32>
        %get3A_299 = vector.shape_cast %get3A_298 : vector<1x1024x1024xf32> to vector<1024x1024xf32>
        %convert_element_type3A_300 = arith.truncf %get3A_299 : vector<1024x1024xf32> to vector<1024x1024xbf16>
        %get3A_301 = arith.index_cast %add3A_179 : i32 to index
        %get3A_302 = arith.constant 0 : index
        %get3A_303 = arith.constant 0 : index
        %get3A_304 = vector.load %arg4[%get3A_301, %get3A_302, %get3A_303] : memref<8x1024x16xf32, #tpu.memory_space<vmem>>, vector<1x1024x16xf32>
        %squeeze3A = vector.shape_cast %get3A_304 : vector<1x1024x16xf32> to vector<1024x16xf32>
        %convert_element_type3A_305 = arith.truncf %squeeze3A : vector<1024x16xf32> to vector<1024x16xbf16>
        %get3A_306 = arith.index_cast %add3A_179 : i32 to index
        %get3A_307 = arith.constant 0 : index
        %get3A_308 = vector.load %arg3[%get3A_306, %get3A_307] : memref<8x2064xf32, #tpu.memory_space<vmem>>, vector<1x2064xf32>
        %slice3A_309 = vector.extract_strided_slice %get3A_308 {offsets = [0, 0], sizes = [1, 1024], strides = [1, 1]} : vector<1x2064xf32> to vector<1x1024xf32>
        %slice3A_310 = vector.extract_strided_slice %get3A_308 {offsets = [0, 1024], sizes = [1, 1024], strides = [1, 1]} : vector<1x2064xf32> to vector<1x1024xf32>
        %slice3A_311 = vector.extract_strided_slice %get3A_308 {offsets = [0, 2048], sizes = [1, 16], strides = [1, 1]} : vector<1x2064xf32> to vector<1x16xf32>
        %get3A_312 = arith.constant 0 : index
        %get3A_313 = arith.constant 0 : index
        %get3A_314 = vector.load %arg8[%get3A_312, %get3A_313] : memref<256x8xi32, #tpu.memory_space<vmem>>, vector<64x8xi32>
        %iota3A_315 = tpu.iota {dimensions = array<i32: 1>} : vector<64x8xi32>
        %eq3A_316 = vector.broadcast %add3A_179 : i32 to vector<64x8xi32>
        %eq3A_317 = arith.cmpi eq, %iota3A_315, %eq3A_316 : vector<64x8xi32>
        %jit3A = arith.constant 0 : i32
        %broadcast_in_dim3A_318 = vector.broadcast %jit3A : i32 to vector<64x8xi32>
        %select_n3A_319 = arith.select %eq3A_317, %get3A_314, %broadcast_in_dim3A_318 : vector<64x8xi1>, vector<64x8xi32>
        %reduce_sum3A_320 = arith.constant dense<0> : vector<64xi32>
        %reduce_sum3A_321 = vector.multi_reduction <add>, %select_n3A_319, %reduce_sum3A_320 [1] : vector<64x8xi32> to vector<64xi32>
        %broadcast_in_dim3A_322 = vector.shape_cast %reduce_sum3A_321 : vector<64xi32> to vector<64x1xi32>
        %iota3A_323 = tpu.iota {dimensions = array<i32: 0>} : vector<64x1xi32>
        %add3A_324 = arith.constant 0 : i32
        %add3A_325 = vector.broadcast %add3A_324 : i32 to vector<64x1xi32>
        %add3A_326 = arith.addi %add3A_325, %iota3A_323 : vector<64x1xi32>
        %lt3A = vector.broadcast %get3A_272 : i32 to vector<64x1xi32>
        %lt3A_327 = arith.cmpi slt, %add3A_326, %lt3A : vector<64x1xi32>
        %jit3A_328 = arith.constant 64 : i32
        %div3A = vector.broadcast %jit3A_328 : i32 to vector<64x1xi32>
        %div3A_329 = arith.divsi %broadcast_in_dim3A_322, %div3A : vector<64x1xi32>
        %sign3A = arith.constant 0 : i32
        %sign3A_330 = vector.broadcast %sign3A : i32 to vector<64x1xi32>
        %sign3A_331 = arith.cmpi sgt, %broadcast_in_dim3A_322, %sign3A_330 : vector<64x1xi32>
        %sign3A_332 = arith.extui %sign3A_331 : vector<64x1xi1> to vector<64x1xi32>
        %sign3A_333 = arith.constant 0 : i32
        %sign3A_334 = vector.broadcast %sign3A_333 : i32 to vector<64x1xi32>
        %sign3A_335 = arith.cmpi slt, %broadcast_in_dim3A_322, %sign3A_334 : vector<64x1xi32>
        %sign3A_336 = arith.extui %sign3A_335 : vector<64x1xi1> to vector<64x1xi32>
        %sign3A_337 = arith.subi %sign3A_332, %sign3A_336 : vector<64x1xi32>
        %sign3A_338 = arith.constant 0 : i32
        %sign3A_339 = arith.cmpi sgt, %jit3A_328, %sign3A_338 : i32
        %sign3A_340 = arith.extui %sign3A_339 : i1 to i32
        %sign3A_341 = arith.constant 0 : i32
        %sign3A_342 = arith.cmpi slt, %jit3A_328, %sign3A_341 : i32
        %sign3A_343 = arith.extui %sign3A_342 : i1 to i32
        %sign3A_344 = arith.subi %sign3A_340, %sign3A_343 : i32
        %ne3A_345 = vector.broadcast %sign3A_344 : i32 to vector<64x1xi32>
        %ne3A_346 = arith.cmpi ne, %sign3A_337, %ne3A_345 : vector<64x1xi32>
        %rem3A_347 = vector.broadcast %jit3A_328 : i32 to vector<64x1xi32>
        %rem3A_348 = arith.remsi %broadcast_in_dim3A_322, %rem3A_347 : vector<64x1xi32>
        %ne3A_349 = arith.constant 0 : i32
        %ne3A_350 = vector.broadcast %ne3A_349 : i32 to vector<64x1xi32>
        %ne3A_351 = arith.cmpi ne, %rem3A_348, %ne3A_350 : vector<64x1xi32>
        %and3A_352 = arith.andi %ne3A_346, %ne3A_351 : vector<64x1xi1>
        %sub3A_353 = arith.constant 1 : i32
        %sub3A_354 = vector.broadcast %sub3A_353 : i32 to vector<64x1xi32>
        %sub3A_355 = arith.subi %div3A_329, %sub3A_354 : vector<64x1xi32>
        %select_n3A_356 = arith.select %and3A_352, %sub3A_355, %div3A_329 : vector<64x1xi1>, vector<64x1xi32>
        %mul3A_357 = arith.constant 64 : i32
        %mul3A_358 = vector.broadcast %mul3A_357 : i32 to vector<64x1xi32>
        %mul3A_359 = arith.muli %select_n3A_356, %mul3A_358 : vector<64x1xi32>
        %sub3A_360 = arith.subi %broadcast_in_dim3A_322, %mul3A_359 : vector<64x1xi32>
        %iota3A_361 = tpu.iota {dimensions = array<i32: 1>} : vector<64x4xi32>
        %eq3A_362 = vector.broadcast %select_n3A_356 : vector<64x1xi32> to vector<64x4xi32>
        %eq3A_363 = arith.cmpi eq, %eq3A_362, %iota3A_361 : vector<64x4xi32>
        %convert_element_type3A_364 = arith.extui %eq3A_363 : vector<64x4xi1> to vector<64x4xi32>
        %convert_element_type3A_365 = arith.sitofp %convert_element_type3A_364 : vector<64x4xi32> to vector<64x4xf32>
        %convert_element_type3A_366 = arith.truncf %convert_element_type3A_365 : vector<64x4xf32> to vector<64x4xbf16>
        %iota3A_367 = tpu.iota {dimensions = array<i32: 1>} : vector<64x64xi32>
        %eq3A_368 = vector.broadcast %sub3A_360 : vector<64x1xi32> to vector<64x64xi32>
        %eq3A_369 = arith.cmpi eq, %eq3A_368, %iota3A_367 : vector<64x64xi32>
        %convert_element_type3A_370 = arith.extui %eq3A_369 : vector<64x64xi1> to vector<64x64xi32>
        %convert_element_type3A_371 = arith.sitofp %convert_element_type3A_370 : vector<64x64xi32> to vector<64x64xf32>
        %convert_element_type3A_372 = arith.truncf %convert_element_type3A_371 : vector<64x64xf32> to vector<64x64xbf16>
        %convert_element_type3A_373 = arith.truncf %dot_general3A_285 : vector<4x1024xf32> to vector<4x1024xbf16>
        %dot_general3A_374 = arith.constant dense<0.000000e+00> : vector<64x1024xf32>
        %dot_general3A_375 = tpu.matmul %convert_element_type3A_366, %convert_element_type3A_373, %dot_general3A_374 {dimension_numbers = #tpu.dot_dimension_numbers<[1], [0], [0], [1], [0, 0, 1, 1], [], []>, transpose_lhs_hint = false} : vector<64x4xbf16>, vector<4x1024xbf16>, vector<64x1024xf32> -> vector<64x1024xf32>
        %convert_element_type3A_376 = arith.truncf %dot_general3A_289 : vector<64x1024xf32> to vector<64x1024xbf16>
        %dot_general3A_377 = arith.constant dense<0.000000e+00> : vector<64x1024xf32>
        %dot_general3A_378 = tpu.matmul %convert_element_type3A_372, %convert_element_type3A_376, %dot_general3A_377 {dimension_numbers = #tpu.dot_dimension_numbers<[1], [0], [0], [1], [0, 0, 1, 1], [], []>, transpose_lhs_hint = false} : vector<64x64xbf16>, vector<64x1024xbf16>, vector<64x1024xf32> -> vector<64x1024xf32>
        %add3A_379 = arith.addf %dot_general3A_375, %dot_general3A_378 : vector<64x1024xf32>
        %add3A_380 = vector.broadcast %slice3A_309 : vector<1x1024xf32> to vector<64x1024xf32>
        %add3A_381 = arith.addf %add3A_379, %add3A_380 : vector<64x1024xf32>
        %max3A = arith.constant 0.000000e+00 : f32
        %max3A_382 = vector.broadcast %max3A : f32 to vector<64x1024xf32>
        %max3A_383 = arith.maximumf %add3A_381, %max3A_382 : vector<64x1024xf32>
        %convert_element_type3A_384 = arith.truncf %max3A_383 : vector<64x1024xf32> to vector<64x1024xbf16>
        %dot_general3A_385 = arith.constant dense<0.000000e+00> : vector<64x1024xf32>
        %dot_general3A_386 = tpu.matmul %convert_element_type3A_384, %convert_element_type3A_300, %dot_general3A_385 {dimension_numbers = #tpu.dot_dimension_numbers<[1], [0], [0], [1], [0, 0, 1, 1], [], []>, transpose_lhs_hint = false} : vector<64x1024xbf16>, vector<1024x1024xbf16>, vector<64x1024xf32> -> vector<64x1024xf32>
        %add3A_387 = vector.broadcast %slice3A_310 : vector<1x1024xf32> to vector<64x1024xf32>
        %add3A_388 = arith.addf %dot_general3A_386, %add3A_387 : vector<64x1024xf32>
        %max3A_389 = arith.constant 0.000000e+00 : f32
        %max3A_390 = vector.broadcast %max3A_389 : f32 to vector<64x1024xf32>
        %max3A_391 = arith.maximumf %add3A_388, %max3A_390 : vector<64x1024xf32>
        %convert_element_type3A_392 = arith.truncf %max3A_391 : vector<64x1024xf32> to vector<64x1024xbf16>
        %dot_general3A_393 = arith.constant dense<0.000000e+00> : vector<64x16xf32>
        %dot_general3A_394 = tpu.matmul %convert_element_type3A_392, %convert_element_type3A_305, %dot_general3A_393 {dimension_numbers = #tpu.dot_dimension_numbers<[1], [0], [0], [1], [0, 0, 1, 1], [], []>, transpose_lhs_hint = false} : vector<64x1024xbf16>, vector<1024x16xbf16>, vector<64x16xf32> -> vector<64x16xf32>
        %add3A_395 = vector.broadcast %slice3A_311 : vector<1x16xf32> to vector<64x16xf32>
        %add3A_396 = arith.addf %dot_general3A_394, %add3A_395 : vector<64x16xf32>
        %iota3A_397 = tpu.iota {dimensions = array<i32: 1>} : vector<64x256xi32>
        %eq3A_398 = vector.broadcast %broadcast_in_dim3A_322 : vector<64x1xi32> to vector<64x256xi32>
        %eq3A_399 = arith.cmpi eq, %eq3A_398, %iota3A_397 : vector<64x256xi32>
        %and3A_400 = vector.broadcast %lt3A_327 : vector<64x1xi1> to vector<64x256xi1>
        %and3A_401 = arith.andi %eq3A_399, %and3A_400 : vector<64x256xi1>
        %convert_element_type3A_402 = arith.extui %and3A_401 : vector<64x256xi1> to vector<64x256xi32>
        %convert_element_type3A_403 = arith.sitofp %convert_element_type3A_402 : vector<64x256xi32> to vector<64x256xf32>
        %convert_element_type3A_404 = arith.truncf %convert_element_type3A_403 : vector<64x256xf32> to vector<64x256xbf16>
        %get3A_405 = arith.constant 0 : index
        %get3A_406 = arith.constant 0 : index
        %get3A_407 = vector.load %arg7[%get3A_405, %get3A_406] : memref<256x16xf32, #tpu.memory_space<vmem>>, vector<256x16xf32>
        %convert_element_type3A_408 = arith.truncf %add3A_396 : vector<64x16xf32> to vector<64x16xbf16>
        %dot_general3A_409 = arith.constant dense<0.000000e+00> : vector<256x16xf32>
        %dot_general3A_410 = tpu.matmul %convert_element_type3A_404, %convert_element_type3A_408, %dot_general3A_409 {dimension_numbers = #tpu.dot_dimension_numbers<[0], [0], [1], [1], [0, 1, 1, 1], [], []>, transpose_lhs_hint = false} : vector<64x256xbf16>, vector<64x16xbf16>, vector<256x16xf32> -> vector<256x16xf32>
        %add3A_411 = arith.addf %get3A_407, %dot_general3A_410 : vector<256x16xf32>
        %swap3A_412 = arith.constant 0 : index
        %swap3A_413 = arith.constant 0 : index
        %swap3A_414 = vector.load %arg7[%swap3A_412, %swap3A_413] : memref<256x16xf32, #tpu.memory_space<vmem>>, vector<256x16xf32>
        tpu.vector_store %arg7[%swap3A_412, %swap3A_413], %add3A_411 {strides = array<i32>} : memref<256x16xf32, #tpu.memory_space<vmem>>, vector<256x16xf32>,
        %gt3A = arith.constant 64 : i32
        %gt3A_415 = arith.cmpi sgt, %get3A_272, %gt3A : i32
        %convert_element_type3A_416 = arith.extui %gt3A_415 : i1 to i32
        %cond3A_417 = arith.constant 0 : i32
        %cond3A_418 = arith.cmpi ne, %convert_element_type3A_416, %cond3A_417 : i32
        scf.if %cond3A_418 {
          %get3A_515 = arith.constant 64 : index
          %get3A_516 = arith.constant 0 : index
          %get3A_517 = vector.load %arg8[%get3A_515, %get3A_516] : memref<256x8xi32, #tpu.memory_space<vmem>>, vector<64x8xi32>
          %iota3A_518 = tpu.iota {dimensions = array<i32: 1>} : vector<64x8xi32>
          %eq3A_519 = vector.broadcast %add3A_179 : i32 to vector<64x8xi32>
          %eq3A_520 = arith.cmpi eq, %iota3A_518, %eq3A_519 : vector<64x8xi32>
          %jit3A_521 = arith.constant 0 : i32
          %broadcast_in_dim3A_522 = vector.broadcast %jit3A_521 : i32 to vector<64x8xi32>
          %select_n3A_523 = arith.select %eq3A_520, %get3A_517, %broadcast_in_dim3A_522 : vector<64x8xi1>, vector<64x8xi32>
          %reduce_sum3A_524 = arith.constant dense<0> : vector<64xi32>
          %reduce_sum3A_525 = vector.multi_reduction <add>, %select_n3A_523, %reduce_sum3A_524 [1] : vector<64x8xi32> to vector<64xi32>
          %broadcast_in_dim3A_526 = vector.shape_cast %reduce_sum3A_525 : vector<64xi32> to vector<64x1xi32>
          %iota3A_527 = tpu.iota {dimensions = array<i32: 0>} : vector<64x1xi32>
          %add3A_528 = arith.constant 64 : i32
          %add3A_529 = vector.broadcast %add3A_528 : i32 to vector<64x1xi32>
          %add3A_530 = arith.addi %add3A_529, %iota3A_527 : vector<64x1xi32>
          %lt3A_531 = vector.broadcast %get3A_272 : i32 to vector<64x1xi32>
          %lt3A_532 = arith.cmpi slt, %add3A_530, %lt3A_531 : vector<64x1xi32>
          %jit3A_533 = arith.constant 64 : i32
          %div3A_534 = vector.broadcast %jit3A_533 : i32 to vector<64x1xi32>
          %div3A_535 = arith.divsi %broadcast_in_dim3A_526, %div3A_534 : vector<64x1xi32>
          %sign3A_536 = arith.constant 0 : i32
          %sign3A_537 = vector.broadcast %sign3A_536 : i32 to vector<64x1xi32>
          %sign3A_538 = arith.cmpi sgt, %broadcast_in_dim3A_526, %sign3A_537 : vector<64x1xi32>
          %sign3A_539 = arith.extui %sign3A_538 : vector<64x1xi1> to vector<64x1xi32>
          %sign3A_540 = arith.constant 0 : i32
          %sign3A_541 = vector.broadcast %sign3A_540 : i32 to vector<64x1xi32>
          %sign3A_542 = arith.cmpi slt, %broadcast_in_dim3A_526, %sign3A_541 : vector<64x1xi32>
          %sign3A_543 = arith.extui %sign3A_542 : vector<64x1xi1> to vector<64x1xi32>
          %sign3A_544 = arith.subi %sign3A_539, %sign3A_543 : vector<64x1xi32>
          %sign3A_545 = arith.constant 0 : i32
          %sign3A_546 = arith.cmpi sgt, %jit3A_533, %sign3A_545 : i32
          %sign3A_547 = arith.extui %sign3A_546 : i1 to i32
          %sign3A_548 = arith.constant 0 : i32
          %sign3A_549 = arith.cmpi slt, %jit3A_533, %sign3A_548 : i32
          %sign3A_550 = arith.extui %sign3A_549 : i1 to i32
          %sign3A_551 = arith.subi %sign3A_547, %sign3A_550 : i32
          %ne3A_552 = vector.broadcast %sign3A_551 : i32 to vector<64x1xi32>
          %ne3A_553 = arith.cmpi ne, %sign3A_544, %ne3A_552 : vector<64x1xi32>
          %rem3A_554 = vector.broadcast %jit3A_533 : i32 to vector<64x1xi32>
          %rem3A_555 = arith.remsi %broadcast_in_dim3A_526, %rem3A_554 : vector<64x1xi32>
          %ne3A_556 = arith.constant 0 : i32
          %ne3A_557 = vector.broadcast %ne3A_556 : i32 to vector<64x1xi32>
          %ne3A_558 = arith.cmpi ne, %rem3A_555, %ne3A_557 : vector<64x1xi32>
          %and3A_559 = arith.andi %ne3A_553, %ne3A_558 : vector<64x1xi1>
          %sub3A_560 = arith.constant 1 : i32
          %sub3A_561 = vector.broadcast %sub3A_560 : i32 to vector<64x1xi32>
          %sub3A_562 = arith.subi %div3A_535, %sub3A_561 : vector<64x1xi32>
          %select_n3A_563 = arith.select %and3A_559, %sub3A_562, %div3A_535 : vector<64x1xi1>, vector<64x1xi32>
          %mul3A_564 = arith.constant 64 : i32
          %mul3A_565 = vector.broadcast %mul3A_564 : i32 to vector<64x1xi32>
          %mul3A_566 = arith.muli %select_n3A_563, %mul3A_565 : vector<64x1xi32>
          %sub3A_567 = arith.subi %broadcast_in_dim3A_526, %mul3A_566 : vector<64x1xi32>
          %iota3A_568 = tpu.iota {dimensions = array<i32: 1>} : vector<64x4xi32>
          %eq3A_569 = vector.broadcast %select_n3A_563 : vector<64x1xi32> to vector<64x4xi32>
          %eq3A_570 = arith.cmpi eq, %eq3A_569, %iota3A_568 : vector<64x4xi32>
          %convert_element_type3A_571 = arith.extui %eq3A_570 : vector<64x4xi1> to vector<64x4xi32>
          %convert_element_type3A_572 = arith.sitofp %convert_element_type3A_571 : vector<64x4xi32> to vector<64x4xf32>
          %convert_element_type3A_573 = arith.truncf %convert_element_type3A_572 : vector<64x4xf32> to vector<64x4xbf16>
          %iota3A_574 = tpu.iota {dimensions = array<i32: 1>} : vector<64x64xi32>
          %eq3A_575 = vector.broadcast %sub3A_567 : vector<64x1xi32> to vector<64x64xi32>
          %eq3A_576 = arith.cmpi eq, %eq3A_575, %iota3A_574 : vector<64x64xi32>
          %convert_element_type3A_577 = arith.extui %eq3A_576 : vector<64x64xi1> to vector<64x64xi32>
          %convert_element_type3A_578 = arith.sitofp %convert_element_type3A_577 : vector<64x64xi32> to vector<64x64xf32>
          %convert_element_type3A_579 = arith.truncf %convert_element_type3A_578 : vector<64x64xf32> to vector<64x64xbf16>
          %convert_element_type3A_580 = arith.truncf %dot_general3A_285 : vector<4x1024xf32> to vector<4x1024xbf16>
          %dot_general3A_581 = arith.constant dense<0.000000e+00> : vector<64x1024xf32>
          %dot_general3A_582 = tpu.matmul %convert_element_type3A_573, %convert_element_type3A_580, %dot_general3A_581 {dimension_numbers = #tpu.dot_dimension_numbers<[1], [0], [0], [1], [0, 0, 1, 1], [], []>, transpose_lhs_hint = false} : vector<64x4xbf16>, vector<4x1024xbf16>, vector<64x1024xf32> -> vector<64x1024xf32>
          %convert_element_type3A_583 = arith.truncf %dot_general3A_289 : vector<64x1024xf32> to vector<64x1024xbf16>
          %dot_general3A_584 = arith.constant dense<0.000000e+00> : vector<64x1024xf32>
          %dot_general3A_585 = tpu.matmul %convert_element_type3A_579, %convert_element_type3A_583, %dot_general3A_584 {dimension_numbers = #tpu.dot_dimension_numbers<[1], [0], [0], [1], [0, 0, 1, 1], [], []>, transpose_lhs_hint = false} : vector<64x64xbf16>, vector<64x1024xbf16>, vector<64x1024xf32> -> vector<64x1024xf32>
          %add3A_586 = arith.addf %dot_general3A_582, %dot_general3A_585 : vector<64x1024xf32>
          %add3A_587 = vector.broadcast %slice3A_309 : vector<1x1024xf32> to vector<64x1024xf32>
          %add3A_588 = arith.addf %add3A_586, %add3A_587 : vector<64x1024xf32>
          %max3A_589 = arith.constant 0.000000e+00 : f32
          %max3A_590 = vector.broadcast %max3A_589 : f32 to vector<64x1024xf32>
          %max3A_591 = arith.maximumf %add3A_588, %max3A_590 : vector<64x1024xf32>
          %convert_element_type3A_592 = arith.truncf %max3A_591 : vector<64x1024xf32> to vector<64x1024xbf16>
          %dot_general3A_593 = arith.constant dense<0.000000e+00> : vector<64x1024xf32>
          %dot_general3A_594 = tpu.matmul %convert_element_type3A_592, %convert_element_type3A_300, %dot_general3A_593 {dimension_numbers = #tpu.dot_dimension_numbers<[1], [0], [0], [1], [0, 0, 1, 1], [], []>, transpose_lhs_hint = false} : vector<64x1024xbf16>, vector<1024x1024xbf16>, vector<64x1024xf32> -> vector<64x1024xf32>
          %add3A_595 = vector.broadcast %slice3A_310 : vector<1x1024xf32> to vector<64x1024xf32>
          %add3A_596 = arith.addf %dot_general3A_594, %add3A_595 : vector<64x1024xf32>
          %max3A_597 = arith.constant 0.000000e+00 : f32
          %max3A_598 = vector.broadcast %max3A_597 : f32 to vector<64x1024xf32>
          %max3A_599 = arith.maximumf %add3A_596, %max3A_598 : vector<64x1024xf32>
          %convert_element_type3A_600 = arith.truncf %max3A_599 : vector<64x1024xf32> to vector<64x1024xbf16>
          %dot_general3A_601 = arith.constant dense<0.000000e+00> : vector<64x16xf32>
          %dot_general3A_602 = tpu.matmul %convert_element_type3A_600, %convert_element_type3A_305, %dot_general3A_601 {dimension_numbers = #tpu.dot_dimension_numbers<[1], [0], [0], [1], [0, 0, 1, 1], [], []>, transpose_lhs_hint = false} : vector<64x1024xbf16>, vector<1024x16xbf16>, vector<64x16xf32> -> vector<64x16xf32>
          %add3A_603 = vector.broadcast %slice3A_311 : vector<1x16xf32> to vector<64x16xf32>
          %add3A_604 = arith.addf %dot_general3A_602, %add3A_603 : vector<64x16xf32>
          %iota3A_605 = tpu.iota {dimensions = array<i32: 1>} : vector<64x256xi32>
          %eq3A_606 = vector.broadcast %broadcast_in_dim3A_526 : vector<64x1xi32> to vector<64x256xi32>
          %eq3A_607 = arith.cmpi eq, %eq3A_606, %iota3A_605 : vector<64x256xi32>
          %and3A_608 = vector.broadcast %lt3A_532 : vector<64x1xi1> to vector<64x256xi1>
          %and3A_609 = arith.andi %eq3A_607, %and3A_608 : vector<64x256xi1>
          %convert_element_type3A_610 = arith.extui %and3A_609 : vector<64x256xi1> to vector<64x256xi32>
          %convert_element_type3A_611 = arith.sitofp %convert_element_type3A_610 : vector<64x256xi32> to vector<64x256xf32>
          %convert_element_type3A_612 = arith.truncf %convert_element_type3A_611 : vector<64x256xf32> to vector<64x256xbf16>
          %get3A_613 = arith.constant 0 : index
          %get3A_614 = arith.constant 0 : index
          %get3A_615 = vector.load %arg7[%get3A_613, %get3A_614] : memref<256x16xf32, #tpu.memory_space<vmem>>, vector<256x16xf32>
          %convert_element_type3A_616 = arith.truncf %add3A_604 : vector<64x16xf32> to vector<64x16xbf16>
          %dot_general3A_617 = arith.constant dense<0.000000e+00> : vector<256x16xf32>
          %dot_general3A_618 = tpu.matmul %convert_element_type3A_612, %convert_element_type3A_616, %dot_general3A_617 {dimension_numbers = #tpu.dot_dimension_numbers<[0], [0], [1], [1], [0, 1, 1, 1], [], []>, transpose_lhs_hint = false} : vector<64x256xbf16>, vector<64x16xbf16>, vector<256x16xf32> -> vector<256x16xf32>
          %add3A_619 = arith.addf %get3A_615, %dot_general3A_618 : vector<256x16xf32>
          %swap3A_620 = arith.constant 0 : index
          %swap3A_621 = arith.constant 0 : index
          %swap3A_622 = vector.load %arg7[%swap3A_620, %swap3A_621] : memref<256x16xf32, #tpu.memory_space<vmem>>, vector<256x16xf32>
          tpu.vector_store %arg7[%swap3A_620, %swap3A_621], %add3A_619 {strides = array<i32>} : memref<256x16xf32, #tpu.memory_space<vmem>>, vector<256x16xf32>,
        } else {
        }
        %gt3A_419 = arith.constant 128 : i32
        %gt3A_420 = arith.cmpi sgt, %get3A_272, %gt3A_419 : i32
        %convert_element_type3A_421 = arith.extui %gt3A_420 : i1 to i32
        %cond3A_422 = arith.constant 0 : i32
        %cond3A_423 = arith.cmpi ne, %convert_element_type3A_421, %cond3A_422 : i32
        scf.if %cond3A_423 {
          %get3A_515 = arith.constant 128 : index
          %get3A_516 = arith.constant 0 : index
          %get3A_517 = vector.load %arg8[%get3A_515, %get3A_516] : memref<256x8xi32, #tpu.memory_space<vmem>>, vector<64x8xi32>
          %iota3A_518 = tpu.iota {dimensions = array<i32: 1>} : vector<64x8xi32>
          %eq3A_519 = vector.broadcast %add3A_179 : i32 to vector<64x8xi32>
          %eq3A_520 = arith.cmpi eq, %iota3A_518, %eq3A_519 : vector<64x8xi32>
          %jit3A_521 = arith.constant 0 : i32
          %broadcast_in_dim3A_522 = vector.broadcast %jit3A_521 : i32 to vector<64x8xi32>
          %select_n3A_523 = arith.select %eq3A_520, %get3A_517, %broadcast_in_dim3A_522 : vector<64x8xi1>, vector<64x8xi32>
          %reduce_sum3A_524 = arith.constant dense<0> : vector<64xi32>
          %reduce_sum3A_525 = vector.multi_reduction <add>, %select_n3A_523, %reduce_sum3A_524 [1] : vector<64x8xi32> to vector<64xi32>
          %broadcast_in_dim3A_526 = vector.shape_cast %reduce_sum3A_525 : vector<64xi32> to vector<64x1xi32>
          %iota3A_527 = tpu.iota {dimensions = array<i32: 0>} : vector<64x1xi32>
          %add3A_528 = arith.constant 128 : i32
          %add3A_529 = vector.broadcast %add3A_528 : i32 to vector<64x1xi32>
          %add3A_530 = arith.addi %add3A_529, %iota3A_527 : vector<64x1xi32>
          %lt3A_531 = vector.broadcast %get3A_272 : i32 to vector<64x1xi32>
          %lt3A_532 = arith.cmpi slt, %add3A_530, %lt3A_531 : vector<64x1xi32>
          %jit3A_533 = arith.constant 64 : i32
          %div3A_534 = vector.broadcast %jit3A_533 : i32 to vector<64x1xi32>
          %div3A_535 = arith.divsi %broadcast_in_dim3A_526, %div3A_534 : vector<64x1xi32>
          %sign3A_536 = arith.constant 0 : i32
          %sign3A_537 = vector.broadcast %sign3A_536 : i32 to vector<64x1xi32>
          %sign3A_538 = arith.cmpi sgt, %broadcast_in_dim3A_526, %sign3A_537 : vector<64x1xi32>
          %sign3A_539 = arith.extui %sign3A_538 : vector<64x1xi1> to vector<64x1xi32>
          %sign3A_540 = arith.constant 0 : i32
          %sign3A_541 = vector.broadcast %sign3A_540 : i32 to vector<64x1xi32>
          %sign3A_542 = arith.cmpi slt, %broadcast_in_dim3A_526, %sign3A_541 : vector<64x1xi32>
          %sign3A_543 = arith.extui %sign3A_542 : vector<64x1xi1> to vector<64x1xi32>
          %sign3A_544 = arith.subi %sign3A_539, %sign3A_543 : vector<64x1xi32>
          %sign3A_545 = arith.constant 0 : i32
          %sign3A_546 = arith.cmpi sgt, %jit3A_533, %sign3A_545 : i32
          %sign3A_547 = arith.extui %sign3A_546 : i1 to i32
          %sign3A_548 = arith.constant 0 : i32
          %sign3A_549 = arith.cmpi slt, %jit3A_533, %sign3A_548 : i32
          %sign3A_550 = arith.extui %sign3A_549 : i1 to i32
          %sign3A_551 = arith.subi %sign3A_547, %sign3A_550 : i32
          %ne3A_552 = vector.broadcast %sign3A_551 : i32 to vector<64x1xi32>
          %ne3A_553 = arith.cmpi ne, %sign3A_544, %ne3A_552 : vector<64x1xi32>
          %rem3A_554 = vector.broadcast %jit3A_533 : i32 to vector<64x1xi32>
          %rem3A_555 = arith.remsi %broadcast_in_dim3A_526, %rem3A_554 : vector<64x1xi32>
          %ne3A_556 = arith.constant 0 : i32
          %ne3A_557 = vector.broadcast %ne3A_556 : i32 to vector<64x1xi32>
          %ne3A_558 = arith.cmpi ne, %rem3A_555, %ne3A_557 : vector<64x1xi32>
          %and3A_559 = arith.andi %ne3A_553, %ne3A_558 : vector<64x1xi1>
          %sub3A_560 = arith.constant 1 : i32
          %sub3A_561 = vector.broadcast %sub3A_560 : i32 to vector<64x1xi32>
          %sub3A_562 = arith.subi %div3A_535, %sub3A_561 : vector<64x1xi32>
          %select_n3A_563 = arith.select %and3A_559, %sub3A_562, %div3A_535 : vector<64x1xi1>, vector<64x1xi32>
          %mul3A_564 = arith.constant 64 : i32
          %mul3A_565 = vector.broadcast %mul3A_564 : i32 to vector<64x1xi32>
          %mul3A_566 = arith.muli %select_n3A_563, %mul3A_565 : vector<64x1xi32>
          %sub3A_567 = arith.subi %broadcast_in_dim3A_526, %mul3A_566 : vector<64x1xi32>
          %iota3A_568 = tpu.iota {dimensions = array<i32: 1>} : vector<64x4xi32>
          %eq3A_569 = vector.broadcast %select_n3A_563 : vector<64x1xi32> to vector<64x4xi32>
          %eq3A_570 = arith.cmpi eq, %eq3A_569, %iota3A_568 : vector<64x4xi32>
          %convert_element_type3A_571 = arith.extui %eq3A_570 : vector<64x4xi1> to vector<64x4xi32>
          %convert_element_type3A_572 = arith.sitofp %convert_element_type3A_571 : vector<64x4xi32> to vector<64x4xf32>
          %convert_element_type3A_573 = arith.truncf %convert_element_type3A_572 : vector<64x4xf32> to vector<64x4xbf16>
          %iota3A_574 = tpu.iota {dimensions = array<i32: 1>} : vector<64x64xi32>
          %eq3A_575 = vector.broadcast %sub3A_567 : vector<64x1xi32> to vector<64x64xi32>
          %eq3A_576 = arith.cmpi eq, %eq3A_575, %iota3A_574 : vector<64x64xi32>
          %convert_element_type3A_577 = arith.extui %eq3A_576 : vector<64x64xi1> to vector<64x64xi32>
          %convert_element_type3A_578 = arith.sitofp %convert_element_type3A_577 : vector<64x64xi32> to vector<64x64xf32>
          %convert_element_type3A_579 = arith.truncf %convert_element_type3A_578 : vector<64x64xf32> to vector<64x64xbf16>
          %convert_element_type3A_580 = arith.truncf %dot_general3A_285 : vector<4x1024xf32> to vector<4x1024xbf16>
          %dot_general3A_581 = arith.constant dense<0.000000e+00> : vector<64x1024xf32>
          %dot_general3A_582 = tpu.matmul %convert_element_type3A_573, %convert_element_type3A_580, %dot_general3A_581 {dimension_numbers = #tpu.dot_dimension_numbers<[1], [0], [0], [1], [0, 0, 1, 1], [], []>, transpose_lhs_hint = false} : vector<64x4xbf16>, vector<4x1024xbf16>, vector<64x1024xf32> -> vector<64x1024xf32>
          %convert_element_type3A_583 = arith.truncf %dot_general3A_289 : vector<64x1024xf32> to vector<64x1024xbf16>
          %dot_general3A_584 = arith.constant dense<0.000000e+00> : vector<64x1024xf32>
          %dot_general3A_585 = tpu.matmul %convert_element_type3A_579, %convert_element_type3A_583, %dot_general3A_584 {dimension_numbers = #tpu.dot_dimension_numbers<[1], [0], [0], [1], [0, 0, 1, 1], [], []>, transpose_lhs_hint = false} : vector<64x64xbf16>, vector<64x1024xbf16>, vector<64x1024xf32> -> vector<64x1024xf32>
          %add3A_586 = arith.addf %dot_general3A_582, %dot_general3A_585 : vector<64x1024xf32>
          %add3A_587 = vector.broadcast %slice3A_309 : vector<1x1024xf32> to vector<64x1024xf32>
          %add3A_588 = arith.addf %add3A_586, %add3A_587 : vector<64x1024xf32>
          %max3A_589 = arith.constant 0.000000e+00 : f32
          %max3A_590 = vector.broadcast %max3A_589 : f32 to vector<64x1024xf32>
          %max3A_591 = arith.maximumf %add3A_588, %max3A_590 : vector<64x1024xf32>
          %convert_element_type3A_592 = arith.truncf %max3A_591 : vector<64x1024xf32> to vector<64x1024xbf16>
          %dot_general3A_593 = arith.constant dense<0.000000e+00> : vector<64x1024xf32>
          %dot_general3A_594 = tpu.matmul %convert_element_type3A_592, %convert_element_type3A_300, %dot_general3A_593 {dimension_numbers = #tpu.dot_dimension_numbers<[1], [0], [0], [1], [0, 0, 1, 1], [], []>, transpose_lhs_hint = false} : vector<64x1024xbf16>, vector<1024x1024xbf16>, vector<64x1024xf32> -> vector<64x1024xf32>
          %add3A_595 = vector.broadcast %slice3A_310 : vector<1x1024xf32> to vector<64x1024xf32>
          %add3A_596 = arith.addf %dot_general3A_594, %add3A_595 : vector<64x1024xf32>
          %max3A_597 = arith.constant 0.000000e+00 : f32
          %max3A_598 = vector.broadcast %max3A_597 : f32 to vector<64x1024xf32>
          %max3A_599 = arith.maximumf %add3A_596, %max3A_598 : vector<64x1024xf32>
          %convert_element_type3A_600 = arith.truncf %max3A_599 : vector<64x1024xf32> to vector<64x1024xbf16>
          %dot_general3A_601 = arith.constant dense<0.000000e+00> : vector<64x16xf32>
          %dot_general3A_602 = tpu.matmul %convert_element_type3A_600, %convert_element_type3A_305, %dot_general3A_601 {dimension_numbers = #tpu.dot_dimension_numbers<[1], [0], [0], [1], [0, 0, 1, 1], [], []>, transpose_lhs_hint = false} : vector<64x1024xbf16>, vector<1024x16xbf16>, vector<64x16xf32> -> vector<64x16xf32>
          %add3A_603 = vector.broadcast %slice3A_311 : vector<1x16xf32> to vector<64x16xf32>
          %add3A_604 = arith.addf %dot_general3A_602, %add3A_603 : vector<64x16xf32>
          %iota3A_605 = tpu.iota {dimensions = array<i32: 1>} : vector<64x256xi32>
          %eq3A_606 = vector.broadcast %broadcast_in_dim3A_526 : vector<64x1xi32> to vector<64x256xi32>
          %eq3A_607 = arith.cmpi eq, %eq3A_606, %iota3A_605 : vector<64x256xi32>
          %and3A_608 = vector.broadcast %lt3A_532 : vector<64x1xi1> to vector<64x256xi1>
          %and3A_609 = arith.andi %eq3A_607, %and3A_608 : vector<64x256xi1>
          %convert_element_type3A_610 = arith.extui %and3A_609 : vector<64x256xi1> to vector<64x256xi32>
          %convert_element_type3A_611 = arith.sitofp %convert_element_type3A_610 : vector<64x256xi32> to vector<64x256xf32>
          %convert_element_type3A_612 = arith.truncf %convert_element_type3A_611 : vector<64x256xf32> to vector<64x256xbf16>
          %get3A_613 = arith.constant 0 : index
          %get3A_614 = arith.constant 0 : index
          %get3A_615 = vector.load %arg7[%get3A_613, %get3A_614] : memref<256x16xf32, #tpu.memory_space<vmem>>, vector<256x16xf32>
          %convert_element_type3A_616 = arith.truncf %add3A_604 : vector<64x16xf32> to vector<64x16xbf16>
          %dot_general3A_617 = arith.constant dense<0.000000e+00> : vector<256x16xf32>
          %dot_general3A_618 = tpu.matmul %convert_element_type3A_612, %convert_element_type3A_616, %dot_general3A_617 {dimension_numbers = #tpu.dot_dimension_numbers<[0], [0], [1], [1], [0, 1, 1, 1], [], []>, transpose_lhs_hint = false} : vector<64x256xbf16>, vector<64x16xbf16>, vector<256x16xf32> -> vector<256x16xf32>
          %add3A_619 = arith.addf %get3A_615, %dot_general3A_618 : vector<256x16xf32>
          %swap3A_620 = arith.constant 0 : index
          %swap3A_621 = arith.constant 0 : index
          %swap3A_622 = vector.load %arg7[%swap3A_620, %swap3A_621] : memref<256x16xf32, #tpu.memory_space<vmem>>, vector<256x16xf32>
          tpu.vector_store %arg7[%swap3A_620, %swap3A_621], %add3A_619 {strides = array<i32>} : memref<256x16xf32, #tpu.memory_space<vmem>>, vector<256x16xf32>,
        } else {
        }
        %gt3A_424 = arith.constant 192 : i32
        %gt3A_425 = arith.cmpi sgt, %get3A_272, %gt3A_424 : i32
        %convert_element_type3A_426 = arith.extui %gt3A_425 : i1 to i32
        %cond3A_427 = arith.constant 0 : i32
        %cond3A_428 = arith.cmpi ne, %convert_element_type3A_426, %cond3A_427 : i32
        scf.if %cond3A_428 {
          %get3A_515 = arith.constant 192 : index
          %get3A_516 = arith.constant 0 : index
          %get3A_517 = vector.load %arg8[%get3A_515, %get3A_516] : memref<256x8xi32, #tpu.memory_space<vmem>>, vector<64x8xi32>
          %iota3A_518 = tpu.iota {dimensions = array<i32: 1>} : vector<64x8xi32>
          %eq3A_519 = vector.broadcast %add3A_179 : i32 to vector<64x8xi32>
          %eq3A_520 = arith.cmpi eq, %iota3A_518, %eq3A_519 : vector<64x8xi32>
          %jit3A_521 = arith.constant 0 : i32
          %broadcast_in_dim3A_522 = vector.broadcast %jit3A_521 : i32 to vector<64x8xi32>
          %select_n3A_523 = arith.select %eq3A_520, %get3A_517, %broadcast_in_dim3A_522 : vector<64x8xi1>, vector<64x8xi32>
          %reduce_sum3A_524 = arith.constant dense<0> : vector<64xi32>
          %reduce_sum3A_525 = vector.multi_reduction <add>, %select_n3A_523, %reduce_sum3A_524 [1] : vector<64x8xi32> to vector<64xi32>
          %broadcast_in_dim3A_526 = vector.shape_cast %reduce_sum3A_525 : vector<64xi32> to vector<64x1xi32>
          %iota3A_527 = tpu.iota {dimensions = array<i32: 0>} : vector<64x1xi32>
          %add3A_528 = arith.constant 192 : i32
          %add3A_529 = vector.broadcast %add3A_528 : i32 to vector<64x1xi32>
          %add3A_530 = arith.addi %add3A_529, %iota3A_527 : vector<64x1xi32>
          %lt3A_531 = vector.broadcast %get3A_272 : i32 to vector<64x1xi32>
          %lt3A_532 = arith.cmpi slt, %add3A_530, %lt3A_531 : vector<64x1xi32>
          %jit3A_533 = arith.constant 64 : i32
          %div3A_534 = vector.broadcast %jit3A_533 : i32 to vector<64x1xi32>
          %div3A_535 = arith.divsi %broadcast_in_dim3A_526, %div3A_534 : vector<64x1xi32>
          %sign3A_536 = arith.constant 0 : i32
          %sign3A_537 = vector.broadcast %sign3A_536 : i32 to vector<64x1xi32>
          %sign3A_538 = arith.cmpi sgt, %broadcast_in_dim3A_526, %sign3A_537 : vector<64x1xi32>
          %sign3A_539 = arith.extui %sign3A_538 : vector<64x1xi1> to vector<64x1xi32>
          %sign3A_540 = arith.constant 0 : i32
          %sign3A_541 = vector.broadcast %sign3A_540 : i32 to vector<64x1xi32>
          %sign3A_542 = arith.cmpi slt, %broadcast_in_dim3A_526, %sign3A_541 : vector<64x1xi32>
          %sign3A_543 = arith.extui %sign3A_542 : vector<64x1xi1> to vector<64x1xi32>
          %sign3A_544 = arith.subi %sign3A_539, %sign3A_543 : vector<64x1xi32>
          %sign3A_545 = arith.constant 0 : i32
          %sign3A_546 = arith.cmpi sgt, %jit3A_533, %sign3A_545 : i32
          %sign3A_547 = arith.extui %sign3A_546 : i1 to i32
          %sign3A_548 = arith.constant 0 : i32
          %sign3A_549 = arith.cmpi slt, %jit3A_533, %sign3A_548 : i32
          %sign3A_550 = arith.extui %sign3A_549 : i1 to i32
          %sign3A_551 = arith.subi %sign3A_547, %sign3A_550 : i32
          %ne3A_552 = vector.broadcast %sign3A_551 : i32 to vector<64x1xi32>
          %ne3A_553 = arith.cmpi ne, %sign3A_544, %ne3A_552 : vector<64x1xi32>
          %rem3A_554 = vector.broadcast %jit3A_533 : i32 to vector<64x1xi32>
          %rem3A_555 = arith.remsi %broadcast_in_dim3A_526, %rem3A_554 : vector<64x1xi32>
          %ne3A_556 = arith.constant 0 : i32
          %ne3A_557 = vector.broadcast %ne3A_556 : i32 to vector<64x1xi32>
          %ne3A_558 = arith.cmpi ne, %rem3A_555, %ne3A_557 : vector<64x1xi32>
          %and3A_559 = arith.andi %ne3A_553, %ne3A_558 : vector<64x1xi1>
          %sub3A_560 = arith.constant 1 : i32
          %sub3A_561 = vector.broadcast %sub3A_560 : i32 to vector<64x1xi32>
          %sub3A_562 = arith.subi %div3A_535, %sub3A_561 : vector<64x1xi32>
          %select_n3A_563 = arith.select %and3A_559, %sub3A_562, %div3A_535 : vector<64x1xi1>, vector<64x1xi32>
          %mul3A_564 = arith.constant 64 : i32
          %mul3A_565 = vector.broadcast %mul3A_564 : i32 to vector<64x1xi32>
          %mul3A_566 = arith.muli %select_n3A_563, %mul3A_565 : vector<64x1xi32>
          %sub3A_567 = arith.subi %broadcast_in_dim3A_526, %mul3A_566 : vector<64x1xi32>
          %iota3A_568 = tpu.iota {dimensions = array<i32: 1>} : vector<64x4xi32>
          %eq3A_569 = vector.broadcast %select_n3A_563 : vector<64x1xi32> to vector<64x4xi32>
          %eq3A_570 = arith.cmpi eq, %eq3A_569, %iota3A_568 : vector<64x4xi32>
          %convert_element_type3A_571 = arith.extui %eq3A_570 : vector<64x4xi1> to vector<64x4xi32>
          %convert_element_type3A_572 = arith.sitofp %convert_element_type3A_571 : vector<64x4xi32> to vector<64x4xf32>
          %convert_element_type3A_573 = arith.truncf %convert_element_type3A_572 : vector<64x4xf32> to vector<64x4xbf16>
          %iota3A_574 = tpu.iota {dimensions = array<i32: 1>} : vector<64x64xi32>
          %eq3A_575 = vector.broadcast %sub3A_567 : vector<64x1xi32> to vector<64x64xi32>
          %eq3A_576 = arith.cmpi eq, %eq3A_575, %iota3A_574 : vector<64x64xi32>
          %convert_element_type3A_577 = arith.extui %eq3A_576 : vector<64x64xi1> to vector<64x64xi32>
          %convert_element_type3A_578 = arith.sitofp %convert_element_type3A_577 : vector<64x64xi32> to vector<64x64xf32>
          %convert_element_type3A_579 = arith.truncf %convert_element_type3A_578 : vector<64x64xf32> to vector<64x64xbf16>
          %convert_element_type3A_580 = arith.truncf %dot_general3A_285 : vector<4x1024xf32> to vector<4x1024xbf16>
          %dot_general3A_581 = arith.constant dense<0.000000e+00> : vector<64x1024xf32>
          %dot_general3A_582 = tpu.matmul %convert_element_type3A_573, %convert_element_type3A_580, %dot_general3A_581 {dimension_numbers = #tpu.dot_dimension_numbers<[1], [0], [0], [1], [0, 0, 1, 1], [], []>, transpose_lhs_hint = false} : vector<64x4xbf16>, vector<4x1024xbf16>, vector<64x1024xf32> -> vector<64x1024xf32>
          %convert_element_type3A_583 = arith.truncf %dot_general3A_289 : vector<64x1024xf32> to vector<64x1024xbf16>
          %dot_general3A_584 = arith.constant dense<0.000000e+00> : vector<64x1024xf32>
          %dot_general3A_585 = tpu.matmul %convert_element_type3A_579, %convert_element_type3A_583, %dot_general3A_584 {dimension_numbers = #tpu.dot_dimension_numbers<[1], [0], [0], [1], [0, 0, 1, 1], [], []>, transpose_lhs_hint = false} : vector<64x64xbf16>, vector<64x1024xbf16>, vector<64x1024xf32> -> vector<64x1024xf32>
          %add3A_586 = arith.addf %dot_general3A_582, %dot_general3A_585 : vector<64x1024xf32>
          %add3A_587 = vector.broadcast %slice3A_309 : vector<1x1024xf32> to vector<64x1024xf32>
          %add3A_588 = arith.addf %add3A_586, %add3A_587 : vector<64x1024xf32>
          %max3A_589 = arith.constant 0.000000e+00 : f32
          %max3A_590 = vector.broadcast %max3A_589 : f32 to vector<64x1024xf32>
          %max3A_591 = arith.maximumf %add3A_588, %max3A_590 : vector<64x1024xf32>
          %convert_element_type3A_592 = arith.truncf %max3A_591 : vector<64x1024xf32> to vector<64x1024xbf16>
          %dot_general3A_593 = arith.constant dense<0.000000e+00> : vector<64x1024xf32>
          %dot_general3A_594 = tpu.matmul %convert_element_type3A_592, %convert_element_type3A_300, %dot_general3A_593 {dimension_numbers = #tpu.dot_dimension_numbers<[1], [0], [0], [1], [0, 0, 1, 1], [], []>, transpose_lhs_hint = false} : vector<64x1024xbf16>, vector<1024x1024xbf16>, vector<64x1024xf32> -> vector<64x1024xf32>
          %add3A_595 = vector.broadcast %slice3A_310 : vector<1x1024xf32> to vector<64x1024xf32>
          %add3A_596 = arith.addf %dot_general3A_594, %add3A_595 : vector<64x1024xf32>
          %max3A_597 = arith.constant 0.000000e+00 : f32
          %max3A_598 = vector.broadcast %max3A_597 : f32 to vector<64x1024xf32>
          %max3A_599 = arith.maximumf %add3A_596, %max3A_598 : vector<64x1024xf32>
          %convert_element_type3A_600 = arith.truncf %max3A_599 : vector<64x1024xf32> to vector<64x1024xbf16>
          %dot_general3A_601 = arith.constant dense<0.000000e+00> : vector<64x16xf32>
          %dot_general3A_602 = tpu.matmul %convert_element_type3A_600, %convert_element_type3A_305, %dot_general3A_601 {dimension_numbers = #tpu.dot_dimension_numbers<[1], [0], [0], [1], [0, 0, 1, 1], [], []>, transpose_lhs_hint = false} : vector<64x1024xbf16>, vector<1024x16xbf16>, vector<64x16xf32> -> vector<64x16xf32>
          %add3A_603 = vector.broadcast %slice3A_311 : vector<1x16xf32> to vector<64x16xf32>
          %add3A_604 = arith.addf %dot_general3A_602, %add3A_603 : vector<64x16xf32>
          %iota3A_605 = tpu.iota {dimensions = array<i32: 1>} : vector<64x256xi32>
          %eq3A_606 = vector.broadcast %broadcast_in_dim3A_526 : vector<64x1xi32> to vector<64x256xi32>
          %eq3A_607 = arith.cmpi eq, %eq3A_606, %iota3A_605 : vector<64x256xi32>
          %and3A_608 = vector.broadcast %lt3A_532 : vector<64x1xi1> to vector<64x256xi1>
          %and3A_609 = arith.andi %eq3A_607, %and3A_608 : vector<64x256xi1>
          %convert_element_type3A_610 = arith.extui %and3A_609 : vector<64x256xi1> to vector<64x256xi32>
          %convert_element_type3A_611 = arith.sitofp %convert_element_type3A_610 : vector<64x256xi32> to vector<64x256xf32>
          %convert_element_type3A_612 = arith.truncf %convert_element_type3A_611 : vector<64x256xf32> to vector<64x256xbf16>
          %get3A_613 = arith.constant 0 : index
          %get3A_614 = arith.constant 0 : index
          %get3A_615 = vector.load %arg7[%get3A_613, %get3A_614] : memref<256x16xf32, #tpu.memory_space<vmem>>, vector<256x16xf32>
          %convert_element_type3A_616 = arith.truncf %add3A_604 : vector<64x16xf32> to vector<64x16xbf16>
          %dot_general3A_617 = arith.constant dense<0.000000e+00> : vector<256x16xf32>
          %dot_general3A_618 = tpu.matmul %convert_element_type3A_612, %convert_element_type3A_616, %dot_general3A_617 {dimension_numbers = #tpu.dot_dimension_numbers<[0], [0], [1], [1], [0, 1, 1, 1], [], []>, transpose_lhs_hint = false} : vector<64x256xbf16>, vector<64x16xbf16>, vector<256x16xf32> -> vector<256x16xf32>
          %add3A_619 = arith.addf %get3A_615, %dot_general3A_618 : vector<256x16xf32>
          %swap3A_620 = arith.constant 0 : index
          %swap3A_621 = arith.constant 0 : index
          %swap3A_622 = vector.load %arg7[%swap3A_620, %swap3A_621] : memref<256x16xf32, #tpu.memory_space<vmem>>, vector<256x16xf32>
          tpu.vector_store %arg7[%swap3A_620, %swap3A_621], %add3A_619 {strides = array<i32>} : memref<256x16xf32, #tpu.memory_space<vmem>>, vector<256x16xf32>,
        } else {
        }
        "tpu.trace_stop"() : () -> ()
        %ne3A_429 = arith.cmpi ne, %add3A_179, %add3A_199 : i32
        %or3A_430 = arith.constant false
        %or3A_431 = arith.ori %or3A_430, %ne3A_429 : i1
        %or3A_432 = arith.constant false
        %or3A_433 = arith.ori %or3A_431, %or3A_432 : i1
        %or3A_434 = arith.constant false
        %or3A_435 = arith.ori %or3A_433, %or3A_434 : i1
        %or3A_436 = arith.ori %or3A_435, %eq3A_177 : i1
        %convert_element_type3A_437 = arith.extui %or3A_436 : i1 to i32
        %cond3A_438 = arith.constant 0 : i32
        %cond3A_439 = arith.cmpi ne, %convert_element_type3A_437, %cond3A_438 : i32
        scf.if %cond3A_439 {
        } else {
        }
        %and3A_440 = arith.constant false
        %and3A_441 = arith.andi %or3A_436, %and3A_440 : i1
        %ne3A_442 = arith.cmpi ne, %add3A_179, %add3A_199 : i32
        %or3A_443 = arith.constant false
        %or3A_444 = arith.ori %or3A_443, %ne3A_442 : i1
        %or3A_445 = arith.constant false
        %or3A_446 = arith.ori %or3A_444, %or3A_445 : i1
        %or3A_447 = arith.constant false
        %or3A_448 = arith.ori %or3A_446, %or3A_447 : i1
        %or3A_449 = arith.ori %or3A_448, %eq3A_177 : i1
        %convert_element_type3A_450 = arith.extui %or3A_449 : i1 to i32
        %cond3A_451 = arith.constant 0 : i32
        %cond3A_452 = arith.cmpi ne, %convert_element_type3A_450, %cond3A_451 : i32
        scf.if %cond3A_452 {
        } else {
        }
        %and3A_453 = arith.constant false
        %and3A_454 = arith.andi %or3A_449, %and3A_453 : i1
        %ne3A_455 = arith.cmpi ne, %add3A_179, %add3A_189 : i32
        %or3A_456 = arith.constant false
        %or3A_457 = arith.ori %or3A_456, %ne3A_455 : i1
        %or3A_458 = arith.constant false
        %or3A_459 = arith.ori %or3A_457, %or3A_458 : i1
        %or3A_460 = arith.constant false
        %or3A_461 = arith.ori %or3A_459, %or3A_460 : i1
        %not3A_462 = arith.constant true
        %not3A_463 = arith.xori %eq3A_175, %not3A_462 : i1
        %and3A_464 = arith.andi %or3A_461, %not3A_463 : i1
        %convert_element_type3A_465 = arith.extui %and3A_464 : i1 to i32
        %cond3A_466 = arith.constant 0 : i32
        %cond3A_467 = arith.cmpi ne, %convert_element_type3A_465, %cond3A_466 : i32
        scf.if %cond3A_467 {
        } else {
        }
        %and3A_468 = arith.constant false
        %and3A_469 = arith.andi %and3A_464, %and3A_468 : i1
        %ne3A_470 = arith.cmpi ne, %add3A_179, %add3A_189 : i32
        %or3A_471 = arith.constant false
        %or3A_472 = arith.ori %or3A_471, %ne3A_470 : i1
        %or3A_473 = arith.constant false
        %or3A_474 = arith.ori %or3A_472, %or3A_473 : i1
        %or3A_475 = arith.constant false
        %or3A_476 = arith.ori %or3A_474, %or3A_475 : i1
        %not3A_477 = arith.constant true
        %not3A_478 = arith.xori %eq3A_175, %not3A_477 : i1
        %and3A_479 = arith.andi %or3A_476, %not3A_478 : i1
        %convert_element_type3A_480 = arith.extui %and3A_479 : i1 to i32
        %cond3A_481 = arith.constant 0 : i32
        %cond3A_482 = arith.cmpi ne, %convert_element_type3A_480, %cond3A_481 : i32
        scf.if %cond3A_482 {
        } else {
        }
        %and3A_483 = arith.constant false
        %and3A_484 = arith.andi %and3A_479, %and3A_483 : i1
        %ne3A_485 = arith.cmpi ne, %add3A_179, %add3A_199 : i32
        %or3A_486 = arith.constant false
        %or3A_487 = arith.ori %or3A_486, %ne3A_485 : i1
        %or3A_488 = arith.constant false
        %or3A_489 = arith.ori %or3A_487, %or3A_488 : i1
        %or3A_490 = arith.constant false
        %or3A_491 = arith.ori %or3A_489, %or3A_490 : i1
        %or3A_492 = arith.ori %or3A_491, %eq3A_177 : i1
        %add3A_493 = arith.constant 1 : i32
        %add3A_494 = arith.addi %scan3A_170, %add3A_493 : i32
        %select_n3A_495 = arith.select %or3A_492, %add3A_494, %scan3A_170 : i32
        %ne3A_496 = arith.cmpi ne, %add3A_179, %add3A_199 : i32
        %or3A_497 = arith.constant false
        %or3A_498 = arith.ori %or3A_497, %ne3A_496 : i1
        %or3A_499 = arith.constant false
        %or3A_500 = arith.ori %or3A_498, %or3A_499 : i1
        %or3A_501 = arith.constant false
        %or3A_502 = arith.ori %or3A_500, %or3A_501 : i1
        %or3A_503 = arith.ori %or3A_502, %eq3A_177 : i1
        %add3A_504 = arith.constant 1 : i32
        %add3A_505 = arith.addi %scan3A_172, %add3A_504 : i32
        %select_n3A_506 = arith.select %or3A_503, %add3A_505, %scan3A_172 : i32
        %add3A_507 = arith.constant 1 : i32
        %add3A_508 = arith.addi %scan3A_173, %add3A_507 : i32
        %select_n3A_509 = arith.constant true
        %select_n3A_510 = arith.select %select_n3A_509, %add3A_508, %scan3A_173 : i32
        %eq3A_511 = arith.constant 8 : i32
        %eq3A_512 = arith.cmpi eq, %select_n3A_510, %eq3A_511 : i32
        %select_n3A_513 = arith.constant 0 : i32
        %select_n3A_514 = arith.select %eq3A_512, %select_n3A_513, %select_n3A_510 : i32
        scf.yield %select_n3A_223, %select_n3A_495, %select_n3A_243, %select_n3A_506, %select_n3A_514 : i32, i32, i32, i32, i32
      }
      %scan3A_127 = arith.constant 8 : i32
      %sub3A_128 = arith.constant 1 : i32
      %sub3A_129 = arith.subi %scan3A_126#4, %sub3A_128 : i32
      %select_n3A_130 = arith.constant true
      %select_n3A_131 = arith.select %select_n3A_130, %sub3A_129, %scan3A_126#4 : i32
      %eq3A_132 = arith.constant -1 : i32
      %eq3A_133 = arith.cmpi eq, %select_n3A_131, %eq3A_132 : i32
      %select_n3A_134 = arith.constant 7 : i32
      %select_n3A_135 = arith.select %eq3A_133, %select_n3A_134, %select_n3A_131 : i32
      %add3A_136 = arith.constant 0 : i32
      %add3A_137 = arith.addi %select_n3A_135, %add3A_136 : i32
      %sub3A_138 = arith.constant 1 : i32
      %sub3A_139 = arith.subi %select_n3A_135, %sub3A_138 : i32
      %select_n3A_140 = arith.constant true
      %select_n3A_141 = arith.select %select_n3A_140, %sub3A_139, %select_n3A_135 : i32
      %eq3A_142 = arith.constant -1 : i32
      %eq3A_143 = arith.cmpi eq, %select_n3A_141, %eq3A_142 : i32
      %select_n3A_144 = arith.constant 7 : i32
      %select_n3A_145 = arith.select %eq3A_143, %select_n3A_144, %select_n3A_141 : i32
      %add3A_146 = arith.constant 0 : i32
      %add3A_147 = arith.addi %select_n3A_145, %add3A_146 : i32
      %add3A_148 = arith.constant 1 : i32
      %add3A_149 = arith.addi %select_n3A_135, %add3A_148 : i32
      %select_n3A_150 = arith.constant true
      %select_n3A_151 = arith.select %select_n3A_150, %add3A_149, %select_n3A_135 : i32
      %eq3A_152 = arith.constant 8 : i32
      %eq3A_153 = arith.cmpi eq, %select_n3A_151, %eq3A_152 : i32
      %select_n3A_154 = arith.constant 0 : i32
      %select_n3A_155 = arith.select %eq3A_153, %select_n3A_154, %select_n3A_151 : i32
      %add3A_156 = arith.constant 0 : i32
      %add3A_157 = arith.addi %select_n3A_155, %add3A_156 : i32
      %add3A_158 = arith.constant 1 : i32
      %add3A_159 = arith.addi %select_n3A_155, %add3A_158 : i32
      %select_n3A_160 = arith.constant true
      %select_n3A_161 = arith.select %select_n3A_160, %add3A_159, %select_n3A_155 : i32
      %eq3A_162 = arith.constant 8 : i32
      %eq3A_163 = arith.cmpi eq, %select_n3A_161, %eq3A_162 : i32
      %select_n3A_164 = arith.constant 0 : i32
      %select_n3A_165 = arith.select %eq3A_163, %select_n3A_164, %select_n3A_161 : i32
      %add3A_166 = arith.constant 0 : i32
      %add3A_167 = arith.addi %select_n3A_165, %add3A_166 : i32
      tpu.yield
    }) : () -> ()
    return
  }
}

</mosaic_0001>

<sc_bundles>
// kernel: kernel.4.cloned.1.call-start
scs
__scs_entry_jumppad:
0x0: {  	(pc) =	sbr.rel $0x88, $3  }
0x1: {  	(tag) =	ssettag $0x0;
	lr =	simm.s32 $0x1  }
0x2: {  	[smem:$0x3F98] =	sst lr;
	_ =	strace $0xD0000000  }
0x3: {  	_ = 	snop  }
0x4: {  	_ = 	snop  }
0x5: {  	_ = 	snop  }
0x6: {  	_ = 	snop  }
0x7: {  	_ = 	snop  }
__scs_overlays_trampoline_lowered:
0x8: {  	[smem:$0x3FA7] =	sst s0  }
0x9: {  	[smem:$0x3FA8] =	sst s1  }
0xa: {  	[smem:$0x3FA9] =	sst s2  }
0xb: {  	[smem:$0x3FAA] =	sst s3  }
0xc: {  	[smem:$0x3FAB] =	sst s4  }
0xd: {  	[smem:$0x3FAC] =	sst s5  }
0xe: {  	[smem:$0x3FAD] =	sst s6  }
0xf: {  	[smem:$0x3FAE] =	sst s7  }
0x10: {  	[smem:$0x3FAF] =	sst s8  }
0x11: {  	[smem:$0x3FB0] =	sst s9;
	s0 =	simm.s32 @!p0 $0x0  }
0x12: {  	s1 =	sld [smem:$0x3F96];
	s0 =	simm.s32 @p0 $0x1  }
0x13: {  	[smem:$0x3FB1] =	sst s0;
	s0 =	simm.s32 @!p1 $0x0  }
0x14: {  	s2 =	sld [smem:$0x3F95];
	s0 =	simm.s32 @p1 $0x1  }
0x15: {  	[smem:$0x3FB2] =	sst s0;
	s0 =	simm.s32 @!p2 $0x0  }
0x16: {  	s3 =	sld [smem:$0x3FDB];
	s0 =	simm.s32 @p2 $0x1  }
0x17: {  	s4 =	simm.s32 $0x1BF5;
	[smem:$0x3FB4] =	sst s0  }
0x18: {  	s0 =	sld [smem:$0x3F97];
	_ =	swait.ge [sflag:s4], $0x0  }
0x19: {  	s7 =	sld [smem:$0x3F98]  }
0x1a: {  	s8 =	sadd.s32 $0xFFFFE003, lr  }
0x1b: {  	s9 =	sadd.s32 $0xFFFFFEF7, lr;
	s5 =	simm.s32 $0xFFFFFFFF;
	p2 =	slt.u32 s8, $0xFFFFF086  }
0x1c: {  	p1 =	slt.u32 s9, $0xF7A;
	s5 =	simm.s32 @!p2 $0x0  }
0x1d: {  	s5 =	simm.s32 @p1 $0x1;
	p0 =	seq.s32 s7, s2  }
0x1e: {  	s7 =	smul.u32 @!p0 $0xF7A, s2;
	p2 =	seq.s32 @!p0 s5, $0x0  }
0x1f: {  	s9 =	smul.u32 $0xF7A, s1;
	s8 =	simm.s32 @!p0 $0x1BF5;
	p2 =	por !p2, p0  }
0x20: {  	[sflag:s8] =	ssyncset.s32 @!p0 $0xFFFFF086;
	s6 =	sadd.s32 @!p0 s3, s7;
	s7 =	simm.s32 @!p0 $0x108  }
0x21: {  	s3 =	sadd.s32 s3, s9;
	s6 =	sadd.s32 @!p0 $0x88, s6;
	s7 =	simm.s32 @p2 $0x1082  }
0x22: {  	[simem:s7], [sflag:s8] =	dma.local @!p0 [hbm:s6], $0xF7A  }
0x23: {  	s9 =	sor.u32 $0xD0000000, s2;
	s6 =	simm.s32 $0x108;
	_ =	swait.ge @!p0 [sflag:s8], $0x0  }
0x24: {  	s3 =	sadd.s32 $0x88, s3;
	s6 =	simm.s32 @!p1 $0x1082;
	[sflag:s4] =	ssyncset.s32 $0xFFFFF086  }
0x25: {  	[simem:s6], [sflag:s4] =	dma.local [hbm:s3], $0xF7A  }
0x26: {  	[smem:$0x3F98] =	sst s1;
	(tag) =	ssettag s2;
	_ =	strace s9  }
0x27: {  	s1 =	sld [smem:$0x3FA8]  }
0x28: {  	s2 =	sld [smem:$0x3FA9]  }
0x29: {  	s4 =	sld [smem:$0x3FAB]  }
0x2a: {  	p0 =	seq.s32 s5, $0x0;
	s5 =	sld [smem:$0x3FAC]  }
0x2b: {  	s6 =	sld [smem:$0x3FAD]  }
0x2c: {  	s7 =	sld [smem:$0x3FAE]  }
0x2d: {  	s3 =	simm.s32 $0x108;
	s8 =	sld [smem:$0x3FAF]  }
0x2e: {  	s3 =	simm.s32 @!p0 $0x1082;
	s9 =	sld [smem:$0x3FB0]  }
0x2f: {  	lr =	sadd.s32 s0, s3;
	s0 =	sld [smem:$0x3FA7]  }
0x30: {  	s3 =	sld [smem:$0x3FAA]  }
0x31: {  	[smem:$0x3FB3] =	sst s10  }
0x32: {  	s10 =	sld [smem:$0x3FB1];
	_ =	sdelay $0x3  }
0x33: {  	p0 =	seq.s32 s10, $0x1;
	s10 =	sld [smem:$0x3FB3];
	_ =	sdelay $0x3  }
0x34: {  	[smem:$0x3FB3] =	sst s10  }
0x35: {  	s10 =	sld [smem:$0x3FB2];
	_ =	sdelay $0x3  }
0x36: {  	p1 =	seq.s32 s10, $0x1;
	s10 =	sld [smem:$0x3FB3];
	_ =	sdelay $0x3  }
0x37: {  	[smem:$0x3FB3] =	sst s10  }
0x38: {  	s10 =	sld [smem:$0x3FB4]  }
0x39: {  	_ = 	snop;
	(pc) =	sbr.ind lr, $3  }
0x3a: {  	_ = 	snop  }
0x3b: {  	_ = 	snop  }
0x3c: {  	p2 =	seq.s32 s10, $0x1;
	s10 =	sld [smem:$0x3FB3]  }
0x3d: {  	_ =	shalt  }
0x3e: {  	_ =	shalt  }
0x3f: {  	_ =	shalt  }
0x40: {  	_ =	shalt  }
0x41: {  	_ =	shalt  }
0x42: {  	_ =	shalt  }
0x43: {  	_ =	shalt  }
0x44: {  	_ =	shalt  }
0x45: {  	_ =	shalt  }
0x46: {  	_ =	shalt  }
0x47: {  	_ =	shalt  }
0x48: {  	_ =	shalt  }
0x49: {  	_ =	shalt  }
0x4a: {  	_ =	shalt  }
0x4b: {  	_ =	shalt  }
0x4c: {  	_ =	shalt  }
0x4d: {  	_ =	shalt  }
0x4e: {  	_ =	shalt  }
0x4f: {  	_ =	shalt  }
0x50: {  	_ =	shalt  }
0x51: {  	_ =	shalt  }
0x52: {  	_ =	shalt  }
0x53: {  	_ =	shalt  }
0x54: {  	_ =	shalt  }
0x55: {  	_ =	shalt  }
0x56: {  	_ =	shalt  }
0x57: {  	_ =	shalt  }
0x58: {  	_ =	shalt  }
0x59: {  	_ =	shalt  }
0x5a: {  	_ =	shalt  }
0x5b: {  	_ =	shalt  }
0x5c: {  	_ =	shalt  }
0x5d: {  	_ =	shalt  }
0x5e: {  	_ =	shalt  }
0x5f: {  	_ =	shalt  }
0x60: {  	_ =	shalt  }
0x61: {  	_ =	shalt  }
0x62: {  	_ =	shalt  }
0x63: {  	_ =	shalt  }
0x64: {  	_ =	shalt  }
0x65: {  	_ =	shalt  }
0x66: {  	_ =	shalt  }
0x67: {  	_ =	shalt  }
0x68: {  	_ =	shalt  }
0x69: {  	_ =	shalt  }
0x6a: {  	_ =	shalt  }
0x6b: {  	_ =	shalt  }
0x6c: {  	_ =	shalt  }
0x6d: {  	_ =	shalt  }
0x6e: {  	_ =	shalt  }
0x6f: {  	_ =	shalt  }
0x70: {  	_ =	shalt  }
0x71: {  	_ =	shalt  }
0x72: {  	_ =	shalt  }
0x73: {  	_ =	shalt  }
0x74: {  	_ =	shalt  }
0x75: {  	_ =	shalt  }
0x76: {  	_ =	shalt  }
0x77: {  	_ =	shalt  }
0x78: {  	_ =	shalt  }
0x79: {  	_ =	shalt  }
0x7a: {  	_ =	shalt  }
0x7b: {  	_ =	shalt  }
0x7c: {  	_ =	shalt  }
0x7d: {  	_ =	shalt  }
0x7e: {  	_ =	shalt  }
0x7f: {  	_ =	shalt  }
0x80: {  	_ =	shalt  }
0x81: {  	_ =	shalt  }
0x82: {  	_ =	shalt  }
0x83: {  	_ =	shalt  }
0x84: {  	_ =	shalt  }
0x85: {  	_ =	shalt  }
0x86: {  	_ =	shalt  }
0x87: {  	_ =	shalt  }
.Lfunc_end0:
.L_simem_size_0:
called_computation_lowered:
.L_overlay_start_0:
0x88: {  	s2 =	sld [smem:$0x3FD9]  }
0x89: {  	s3 =	sld [smem:$0x3FFE];
	_ =	sdelay $0x1  }
0x8a: {  	s1 =	srdreg.scid  }
0x8b: {  	s0 =	sand.u32 $0x1, s1  }
0x8c: {  	s17 =	sshll.u32 s0, $0xA;
	s2 =	sadd.s32 s3, s2  }
0x8d: {  	s2 =	sadd.s32 s2, s17  }
0x8e: {  	[smem:$0x3FBF] =	sst s2  }
0x8f: {  	_ = 	snop  }
0x90: {  	s2 =	sld [smem:$0x3FD0];
	(tm) =	ssettm $0x1  }
0x91: {  	s18 =	sld [smem:$0x3FFB];
	_ =	sdelay $0x3  }
0x92: {  	_ =	strace s18  }
0x93: {  	s3 =	sld [smem:$0x3FFC];
	_ =	sdelay $0x3  }
0x94: {  	_ =	strace s3  }
0x95: {  	s3 =	sld [smem:$0x3FFD];
	_ =	sdelay $0x3  }
0x96: {  	_ =	strace s3  }
0x97: {  	_ =	strace $0x8FFFFFFF  }
0x98: {  	s19 =	sld [smem:$0x3FDB];
	_ =	sdelay $0x1  }
0x99: {  	s4 =	simm.s32 $_scs_section_size  }
0x9a: {  	s5 =	simm.s32 $_size__tile_overlayer_lowered;
	s6 =	simm.s32 $_tile_overlayer_lowered  }
0x9b: {  	s22 =	simm.s32 $0x1BFF;
	s21 =	sshll.u32 s6, $0x1;
	s3 =	sadd.s32 s4, s19  }
0x9c: {  	s7 =	simm.s32 $0x0;
	s20 =	sshll.u32 s5, $0x1;
	s5 =	sadd.s32 s21, s3  }
0x9d: {  	[timem:s7], [sflag:s22] =	dma.local [hbm:s5], s20  }
0x9e: {  	_ =	swait.ge [sflag:s22], s20  }
0x9f: {  	s4 =	ssub.s32 $0x0, s20;
	[sflag:s22] =	ssyncset.done $0x0  }
0xa0: {  	[sflag:s22] =	ssyncadd.s32 s4;
	_ =	sdelay $0x1  }
0xa1: {  	s23 =	simm.s32 $0x1B8B  }
0xa2: {  	_ =	swait.ge [sflag:s23], $0x1  }
0xa3: {  	[sflag:s23] =	ssyncset.done $0x0  }
0xa4: {  	s25 =	simm.s32 $0x1B8E;
	s24 =	sld [smem:$0x3FFE];
	[sflag:s23] =	ssyncadd.s32 $0xFFFFFFFF  }
0xa5: {  	s26 =	simm.s32 $execute0_lowered;
	[smem:$0x3FD2] =	sst s25  }
0xa6: {  	s5 =	sshll.u32 s26, $0x1;
	_ =	strace $0x80000046;
	[dreg:$0x1] =	wrdreg $0xFFFFFFFF  }
0xa7: {  	s28 =	simm.s32 $_size_execute0_lowered;
	s3 =	sadd.s32 s3, s5;
	[dreg:$0x0] =	wrdreg $0x0  }
0xa8: {  	s5 =	sshll.u32 s28, $0x1;
	[dreg:$0x2] =	wrdreg s3  }
0xa9: {  	[dreg:$0x3] =	wrdreg s5  }
0xaa: {  	[dreg:$0x4] =	wrdreg $0xC0  }
0xab: {  	_ =	task [dreg:s7], $0x5FFFF  }
0xac: {  	[dreg:$0x1] =	wrdreg $0xFFFFFFFF  }
0xad: {  	[dreg:$0x0] =	wrdreg $0x60  }
0xae: {  	[dreg:$0x2] =	wrdreg s24  }
0xaf: {  	[dreg:$0x3] =	wrdreg s2  }
0xb0: {  	[dreg:$0x4] =	wrdreg $0x9  }
0xb1: {  	_ =	task.clear_ibuf [dreg:s7], $0x5FFFF;
	_ =	strace $0x90000046  }
0xb2: {  	s29 =	simm.s32 $0x9;
	_ =	strace $0x80000048  }
0xb3: {  	_ =	swait.ge [sflag:s29], $0x1  }
0xb4: {  	[sflag:s29] =	ssyncadd.s32 $0xFFFFFFFF  }
0xb5: {  	_ =	strace $0x90000048  }
0xb6: {  	_ =	sfence  }
0xb7: {  	s30 =	sld [smem:$0x0];
	_ =	sdelay $0x2  }
0xb8: {  	s31 =	sshll.u32 s1, $0xD;
	s1 =	sshrl.u32 s1, $0x2  }
0xb9: {  	s3 =	sand.u32 $0x4000, s31;
	s1 =	sadd.s32 s1, s30  }
0xba: {  	s0 =	sor.u32 s3, s0;
	s1 =	sshll.u32 s1, $0x11  }
0xbb: {  	s0 =	sor.u32 s1, s0  }
0xbc: {  	s0 =	sadd.s32 $0x8F2B, s0  }
0xbd: {  	[sflag:s0] =	ssyncadd.remote.s32 $0x1  }
0xbe: {  	_ =	sfence.sel $0xFFFF  }
0xbf: {  	[dreg:$0x0] =	wrdreg $0xFFFFFFFF;
	(pc) =	sbr.abs _section_cstart, $3  }
0xc0: {  	[dreg:$0x1] =	wrdreg $0xFFFFFFFF  }
0xc1: {  	_ =	task.clear_ibuf [dreg:s7], $0x2FFFF;
	_ =	strace $0x9FFFFFFF  }
0xc2: {  	(tm) =	ssettm $0x7FFFFFFF  }
0xc3: {  	_ =	shalt  }
tec
execute0_lowered:
.L_overlay_start_1:
0x0: {  	(tag) =	ssettag $0x1  }
0x1: {  	s1 =	srdreg.scid  }
0x2: {  	s1 =	sand.u32 $0x1, s1  }
0x3: {  	p0 =	seq.s32 s1, $0x1  }
.Ltmp0:
0x4: {  	_ = 	snop;
	(pc) =	sbr.rel @p0 .LBB2_2-.Ltmp0, $4  }
0x5: {  	s3 =	rddreg [dreg:$0x0]  }
0x6: {  	s5 =	rddreg [dreg:$0x1];
	s2 =	simm.s32 $0x0  }
0x7: {  	[smem:$0x7FF] =	sst s2  }
0x8: {  	s0 =	rddreg [dreg:$0x2];
	_ =	strace $0x80000047;
	s1 =	stileid.u32  }
0x9: {  	s4 =	sadd.s32 $0xC00, s3;
	s25 =	simm.s32 $0x1  }
0xa: {  	[tilespmem:s2], [sflag:$0x1] =	stream.linear.gather [hbm4b:s4+s2], $0x200, $0x38;
	[tilespmem:$0xA80] =	vst v63  }
0xb: {  	_ =	swait.ge [sflag:s25], $0x200  }
0xc: {  	[sflag:s25] =	ssyncset.done $0x0  }
0xd: {  	s6 =	simm.s32 $0x200;
	[sflag:s25] =	ssyncadd.s32 $0xFFFFFE00  }
0xe: {  	[tilespmem:s6], [sflag:$0x1] =	stream.linear.gather [hbm4b:s5+s2], $0x800, $0x38;
	[tilespmem:$0xA80] =	vst v63  }
0xf: {  	_ =	swait.ge [sflag:s25], $0x800  }
0x10: {  	s26 =	sshll.u32 s1, $0x4;
	[sflag:s25] =	ssyncset.done $0x0  }
0x11: {  	s28 =	sand.u32 $0x30, s26;
	[sflag:s25] =	ssyncadd.s32 $0xFFFFF800  }
0x12: {  	v0 =	vld [tilespmem:s28+$0x0]  }
0x13: {  	v1 =	vld [tilespmem:s26+$0x200]  }
0x14: {  	v2 =	vld [tilespmem:s28+$0x40]  }
0x15: {  	v3 =	vld [tilespmem:s26+$0x300]  }
0x16: {  	v4 =	vld [tilespmem:s28+$0x80]  }
0x17: {  	v5 =	vld [tilespmem:s26+$0x400]  }
0x18: {  	v6 =	vld [tilespmem:s28+$0xC0]  }
0x19: {  	v7 =	vld [tilespmem:s26+$0x500]  }
0x1a: {  	v8 =	vld [tilespmem:s28+$0x100]  }
0x1b: {  	v9 =	vld [tilespmem:s26+$0x600]  }
0x1c: {  	v10 =	vld [tilespmem:s28+$0x140]  }
0x1d: {  	v11 =	vld [tilespmem:s26+$0x700]  }
0x1e: {  	v56 =	vld [tilespmem:s28+$0x180]  }
0x1f: {  	v57 =	vld [tilespmem:s26+$0x800]  }
0x20: {  	v58 =	vld [tilespmem:s28+$0x1C0]  }
0x21: {  	v60 =	vld [tilespmem:s26+$0x900]  }
0x22: {  	v0 =	vadd.f32 v1, v0  }
0x23: {  	v55 =	vadd.f32 v3, v2;
	v4 =	vadd.f32 v5, v4  }
0x24: {  	v6 =	vadd.f32 v7, v6;
	v61 =	vadd.f32 v9, v8  }
0x25: {  	v12 =	vimm.s32 $0x0;
	v62 =	vadd.f32 v11, v10;
	v2 =	vadd.f32 v57, v56  }
0x26: {  	v63 =	vadd.f32 v60, v58;
	vm0 =	vgt.f32 v55, v0;
	v0 =	vmax.f32 v0, v55  }
0x27: {  	v59 =	vsel vm0, $0x1, v12;
	vm10 =	vgt.f32 v4, v0;
	v0 =	vmax.f32 v0, v4  }
0x28: {  	v1 =	vsel vm10, $0x2, v59;
	vm11 =	vgt.f32 v6, v0;
	v0 =	vmax.f32 v0, v6  }
0x29: {  	v1 =	vsel vm11, $0x3, v1;
	vm12 =	vgt.f32 v61, v0;
	v0 =	vmax.f32 v0, v61  }
0x2a: {  	v1 =	vsel vm12, $0x4, v1;
	vm13 =	vgt.f32 v62, v0;
	v0 =	vmax.f32 v0, v62  }
0x2b: {  	v1 =	vsel vm13, $0x5, v1;
	vm14 =	vgt.f32 v2, v0;
	v0 =	vmax.f32 v0, v2  }
0x2c: {  	v1 =	vsel vm14, $0x6, v1;
	vm15 =	vgt.f32 v63, v0  }
0x2d: {  	s29 =	sadd.s32 $0xE00, s3;
	s30 =	sshll.u32 s1, $0x1;
	v0 =	vsel vm15, $0x7, v1  }
0x2e: {  	s31 =	simm.s32 $0xA00;
	s3 =	sadd.s32 s29, s30;
	[tilespmem:$0xA00] =	vst v0  }
0x2f: {  	[hbm4b:s3+s2] =	stream.linear.scatter [tilespmem:s31], [sflag:$0x1], $0x10, $0x38;
	[tilespmem:$0xA80] =	vst v63  }
0x30: {  	_ =	swait.ge [sflag:s25], $0x10  }
0x31: {  	[sflag:s25] =	ssyncset.done $0x0  }
0x32: {  	[sflag:s25] =	ssyncadd.s32 $0xFFFFFFF0  }
.LBB2_2:
0x33: {  	_ =	sfence.sel $0x180000  }
0x34: {  	[bflag:$0x0] =	sbarrier.arrive $0xFFFF  }
0x35: {  	p0 =	sne.s32 s1, $0x0;
	_ =	strace $0x90000047  }
0x36: {  	s0 =	sadd.s32 @!p0 $0x100000, s0;
	[bflag:$0x2] =	sbarrier.arrive $0xFFFF  }
0x37: {  	[sflag:s0] =	ssyncadd.tile.s32 @!p0 $0x1;
	_ =	shalt  }
.Lfunc_end2:
_tile_overlayer_lowered:
.L_overlay_start_2:
0x38: {  	(tag) =	ssettag $0x2  }
0x39: {  	s0 =	rddreg [dreg:$0x0];
	s2 =	stileid.u32  }
0x3a: {  	s1 =	rddreg [dreg:$0x1];
	p0 =	sne.s32 s2, $0x0  }
0x3b: {  	s3 =	rddreg [dreg:$0x2];
	[bflag:$0x3] =	sbarrier.arrive $0xFFFF;
	s2 =	simm.s32 @!p0 $0x1C01  }
0x3c: {  	[timem:s3], [sflag:s2] =	dma.local @!p0 [hbm:s0], s1  }
0x3d: {  	s0 =	simm.s32 @!p0 $0x1  }
0x3e: {  	_ =	swait.ge @!p0 [sflag:s0], s1  }
0x3f: {  	s1 =	ssub.s32 @!p0 $0x0, s1;
	[sflag:s0] =	ssyncset.done @!p0 $0x0  }
0x40: {  	[sflag:s0] =	ssyncadd.s32 @!p0 s1  }
0x41: {  	[bflag:$0x3] =	sbarrier.arrive $0xFFFF  }
0x42: {  	_ =	shalt  }

</sc_bundles>
